<compile_context>
chip_gen: v7x
topology: tpu7x:2x2x1
jax: 0.10.2.dev20260603
libtpu: 0.0.44.dev20260713+nightly
codegen_flags: <defaults>
</compile_context>

<pallas_src>
import functools

import jax
import jax.numpy as jnp
from jax import lax
from jax.experimental import pallas as pl
from jax.experimental.pallas import tpu as pltpu
from jax.experimental.pallas import tpu_sc as plsc

B = 4096
F = 128
NB = 20
NC = 2
NS = 16
NW = NC * NS
BPW = B // NW
TB = 2048
NT = B // TB


CH = 4
CIDX = CH * NB
NCH = BPW // CH
RING = 4


def _sc_gather_body(idx_all, w_user_gmf, w_item_gmf,
                    w_user_sage, w_item_sage, uid_out, item_out, usage_out,
                    isage_out, idq_u, idq_i, idxf, idxf2, b0, b1, b2, b3, acc,
                    idb, s0, s1, s2, s3, semw, semx):
    wid = lax.axis_index("s") * NC + lax.axis_index("c")
    base = wid * BPW
    bufs = (b0, b1, b2, b3)
    sems = (s0, s1, s2, s3)

    pltpu.sync_copy(idx_all.at[pl.ds(base, BPW)], idq_u)
    pltpu.sync_copy(idx_all.at[pl.ds(B + base, BPW)], idq_i)
    cp_idu = pltpu.async_copy(w_user_gmf.at[idq_u], idb.at[pl.ds(0, BPW)], semw)
    cp_idi = pltpu.async_copy(w_item_gmf.at[idq_i], idb.at[pl.ds(BPW, BPW)], semw)

    def fire(table, ixf, c, q):
        return pltpu.async_copy(
            table.at[ixf.at[pl.ds(c * CIDX, CIDX)]], bufs[q], sems[q])

    pltpu.sync_copy(idx_all.at[pl.ds(2 * B + base * NB, BPW * NB)], idxf)
    cp_x2 = pltpu.async_copy(
        idx_all.at[pl.ds(2 * B + B * NB + base * NB, BPW * NB)], idxf2, semx)
    for q in range(RING):
        fire(w_item_sage, idxf, q, q)
    cp_idu.wait()
    cp_idi.wait()
    cp_wu = pltpu.async_copy(idb.at[pl.ds(0, BPW)],
                             uid_out.at[pl.ds(base, BPW)], semw)
    cp_wi = pltpu.async_copy(idb.at[pl.ds(BPW, BPW)],
                             item_out.at[pl.ds(base, BPW)], semw)
    cp_x2.wait()

    def jbody(j, carry):
        for q in range(RING):
            c = RING * j + q
            pltpu.make_async_copy(
                w_item_sage.at[idxf.at[pl.ds(0, CIDX)]], bufs[q],
                sems[q]).wait()
            b = bufs[q]
            arow0 = CH * c - jnp.where(c >= NCH, CH * NCH, 0)

            def brbody(br, carry, b=b, arow0=arow0):
                row0 = NB * br
                cs = tuple(b[row0, pl.ds(16 * v, 16)]
                           + b[row0 + 1, pl.ds(16 * v, 16)]
                           for v in range(F // 16))

                def nbody(m, cs, b=b, row0=row0):
                    r = row0 + 2 * m
                    return tuple(cs[v] + b[r, pl.ds(16 * v, 16)]
                                 + b[r + 1, pl.ds(16 * v, 16)]
                                 for v in range(F // 16))

                cs = lax.fori_loop(1, NB // 2, nbody, cs)
                for v in range(F // 16):
                    acc[arow0 + br, pl.ds(16 * v, 16)] = cs[v]
                return carry

            lax.fori_loop(0, CH, brbody, 0)

            cn = c + RING

            @pl.when(cn < NCH)
            def _():
                fire(w_item_sage, idxf, cn, q)

            @pl.when((cn >= NCH) & (cn < 2 * NCH))
            def _():
                fire(w_user_sage, idxf2, cn - NCH, q)

            @pl.when(c == NCH - 1)
            def _():
                pltpu.sync_copy(acc, usage_out.at[pl.ds(base, BPW)])
        return carry

    lax.fori_loop(0, 2 * NCH // RING, jbody, 0)
    pltpu.sync_copy(acc, isage_out.at[pl.ds(base, BPW)])
    cp_wu.wait()
    cp_wi.wait()


@functools.lru_cache(maxsize=1)
def _sc_gather():
    return pl.kernel(
        _sc_gather_body,
        out_type=(
            jax.ShapeDtypeStruct((B, F), jnp.float32),
            jax.ShapeDtypeStruct((B, F), jnp.float32),
            jax.ShapeDtypeStruct((B, F), jnp.float32),
            jax.ShapeDtypeStruct((B, F), jnp.float32),
        ),
        mesh=plsc.VectorSubcoreMesh(core_axis_name="c", subcore_axis_name="s"),
        scratch_types=[
            pltpu.VMEM((BPW,), jnp.int32),
            pltpu.VMEM((BPW,), jnp.int32),
            pltpu.VMEM((BPW * NB,), jnp.int32),
            pltpu.VMEM((BPW * NB,), jnp.int32),
            pltpu.VMEM((CIDX, F), jnp.float32),
            pltpu.VMEM((CIDX, F), jnp.float32),
            pltpu.VMEM((CIDX, F), jnp.float32),
            pltpu.VMEM((CIDX, F), jnp.float32),
            pltpu.VMEM((BPW, F), jnp.float32),
            pltpu.VMEM((2 * BPW, F), jnp.float32),
            pltpu.SemaphoreType.DMA,
            pltpu.SemaphoreType.DMA,
            pltpu.SemaphoreType.DMA,
            pltpu.SemaphoreType.DMA,
            pltpu.SemaphoreType.DMA,
            pltpu.SemaphoreType.DMA,
        ],
    )


def _tc_mlp_body(uid_ref, item_ref, us_ref, is_ref, g_ref, a_ref, o_ref,
                 wall_ref, wg_ref, wa_ref, wo_ref, wcu_ref, wci_ref, ball_ref,
                 bcu_ref, bci_ref, wp1t_ref, wp2_ref, bp1_ref, bp2_ref,
                 out_ref):
    f32 = jnp.float32
    a1 = wall_ref[0:F, :]
    tsmall = jnp.concatenate([
        jnp.dot(wo_ref[...], wall_ref[F:2 * F, :], preferred_element_type=f32),
        jnp.dot(wa_ref[...], wall_ref[2 * F:3 * F, :],
                preferred_element_type=f32),
        jnp.dot(wg_ref[...], wall_ref[3 * F:4 * F, :],
                preferred_element_type=f32),
        jnp.zeros((2, F), f32),
    ], axis=0)
    g = jnp.reshape(g_ref[0], (TB, 1))
    a = jnp.reshape(a_ref[0], (TB, 1))
    o = jnp.reshape(o_ref[0], (TB, 1))
    cols = lax.broadcasted_iota(jnp.int32, (TB, 32), 1)
    sh = ((cols == o) | (cols == a + 21) | (cols == g + 28)).astype(f32)
    c1 = wcu_ref[0:F, :]
    c2 = wcu_ref[F:2 * F, :] * (1.0 / NB)
    e1 = jnp.dot(a1, c1, preferred_element_type=f32)
    tsc = jnp.dot(tsmall, c1, preferred_element_type=f32)
    bu = jnp.dot(ball_ref[...], c1, preferred_element_type=f32) + bcu_ref[...]
    uf = (jnp.dot(uid_ref[...], e1, preferred_element_type=f32)
          + jnp.dot(sh, tsc, preferred_element_type=f32)
          + jnp.dot(us_ref[...], c2, preferred_element_type=f32)
          + bu)
    d1 = wci_ref[0:F, :]
    d2 = wci_ref[F:2 * F, :] * (1.0 / NB)
    itf = (jnp.dot(item_ref[...], d1, preferred_element_type=f32)
           + jnp.dot(is_ref[...], d2, preferred_element_type=f32)
           + bci_ref[...])
    pvec = jnp.sum(wp1t_ref[...] * wp2_ref[...], axis=0)
    cconst = jnp.sum(bp1_ref[...] * wp2_ref[...]) + bp2_ref[0, 0]
    out_ref[...] = jnp.sum(uf * itf * pvec, axis=1) + cconst


def _tc_mlp(uid_e, item_e, usage_s, isage_s, g3, a3, o3, w_all, w_g, w_a,
            w_o, w_cu, w_ci, b_all, b_cu, b_ci, wp1t, wp2, bp1, bp2):
    emb_spec = pl.BlockSpec((TB, F), lambda i: (i, 0))
    idx_spec = pl.BlockSpec((1, 1, TB), lambda i: (i, 0, 0))

    def full(x):
        r = len(x.shape)
        return pl.BlockSpec(x.shape, lambda i, _r=r: (0,) * _r)

    return pl.pallas_call(
        _tc_mlp_body,
        grid=(NT,),
        in_specs=[emb_spec, emb_spec, emb_spec, emb_spec,
                  idx_spec, idx_spec, idx_spec,
                  full(w_all), full(w_g), full(w_a), full(w_o),
                  full(w_cu), full(w_ci),
                  full(b_all), full(b_cu), full(b_ci),
                  full(wp1t), full(wp2), full(bp1), full(bp2)],
        out_specs=pl.BlockSpec((TB,), lambda i: (i,)),
        out_shape=jax.ShapeDtypeStruct((B,), jnp.float32),
    )(uid_e, item_e, usage_s, isage_s, g3, a3, o3, w_all, w_g, w_a, w_o,
      w_cu, w_ci, b_all, b_cu, b_ci, wp1t, wp2, bp1, bp2)


def kernel(user, item, user_gender, user_age, user_occupation, user_neighbor,
           item_neighbor, W_user_gmf, W_item_gmf, W_user_sage, W_item_sage,
           W_gender, W_age, W_occ, W_all, b_all, W_cu, b_cu, W_ci, b_ci,
           W_p1, b_p1, W_p2, b_p2):
    i32 = jnp.int32
    if user.dtype != i32:
        user = user.astype(i32)
    if item.dtype != i32:
        item = item.astype(i32)
    if user_neighbor.dtype != i32:
        user_neighbor = user_neighbor.astype(i32)
    if item_neighbor.dtype != i32:
        item_neighbor = item_neighbor.astype(i32)
    un_flat = user_neighbor.reshape(-1)
    in_flat = item_neighbor.reshape(-1)

    idx_all = jnp.concatenate([user, item, un_flat, in_flat])
    uid_e, item_e, usage_s, isage_s = _sc_gather()(
        idx_all, W_user_gmf, W_item_gmf, W_user_sage, W_item_sage)

    if user_gender.dtype != i32:
        user_gender = user_gender.astype(i32)
    if user_age.dtype != i32:
        user_age = user_age.astype(i32)
    if user_occupation.dtype != i32:
        user_occupation = user_occupation.astype(i32)
    g3 = user_gender.reshape(NT, 1, TB)
    a3 = user_age.reshape(NT, 1, TB)
    o3 = user_occupation.reshape(NT, 1, TB)

    pred = _tc_mlp(uid_e, item_e, usage_s, isage_s, g3, a3, o3,
                   W_all, W_gender, W_age, W_occ, W_cu, W_ci,
                   b_all.reshape(1, F), b_cu.reshape(1, F), b_ci.reshape(1, F),
                   W_p1.T, W_p2, b_p1.reshape(8, 1), b_p2.reshape(1, 1))
    return pred

# --- scband reference (transcript-rebuilt; emitter-appended) ---
"""Pipeline reference for scband-ncf-57750130262058 (READ-ONLY COPY).

The authoritative reference and input builder live on the scoring server;
editing this copy changes nothing except your own understanding.
"""

import jax, jax.numpy as jnp
import numpy as np

U = 100000
I = 100000
F = 128
B = 4096
NB = 20

def setup_inputs(seed: int = 0):
    key = jax.random.key(seed)
    ks = [jax.random.fold_in(key, i) for i in range(32)]
    inp = {}
    # forward index args
    inp["user"] = jax.random.randint(ks[0], (B,), 0, U)
    inp["item"] = jax.random.randint(ks[1], (B,), 0, I)
    inp["user_gender"] = jax.random.randint(ks[2], (B,), 0, 2)
    inp["user_age"] = jax.random.randint(ks[3], (B,), 0, 7)
    inp["user_occupation"] = jax.random.randint(ks[4], (B,), 0, 21)
    inp["user_neighbor"] = jax.random.randint(ks[5], (B, NB), 0, I)
    inp["item_neighbor"] = jax.random.randint(ks[6], (B, NB), 0, U)
    # embedding tables (std=0.01 as in _init_weight_)
    inp["W_user_gmf"] = jax.random.normal(ks[7], (U, F), jnp.float32) * 0.01
    inp["W_item_gmf"] = jax.random.normal(ks[8], (I, F), jnp.float32) * 0.01
    inp["W_user_sage"] = jax.random.normal(ks[9], (U, F), jnp.float32) * 0.01
    inp["W_item_sage"] = jax.random.normal(ks[10], (I, F), jnp.float32) * 0.01
    inp["W_gender"] = jax.random.normal(ks[11], (2, F), jnp.float32) * 0.01
    inp["W_age"] = jax.random.normal(ks[12], (7, F), jnp.float32) * 0.01
    inp["W_occ"] = jax.random.normal(ks[13], (21, F), jnp.float32) * 0.01
    # linear layers, stored as [in, out]; biases zero-initialized
    def lin(k, fin, fout):
        bound = 1.0 / np.sqrt(fin)
        return jax.random.uniform(k, (fin, fout), jnp.float32, -bound, bound)
    inp["W_all"] = lin(ks[14], 4 * F, F)
    inp["b_all"] = jnp.zeros((F,), jnp.float32)
    inp["W_cu"] = lin(ks[15], 2 * F, F)
    inp["b_cu"] = jnp.zeros((F,), jnp.float32)
    inp["W_ci"] = lin(ks[16], 2 * F, F)
    inp["b_ci"] = jnp.zeros((F,), jnp.float32)
    inp["W_p1"] = lin(ks[17], F, 8)
    inp["b_p1"] = jnp.zeros((8,), jnp.float32)
    inp["W_p2"] = lin(ks[18], 8, 1)
    inp["b_p2"] = jnp.zeros((1,), jnp.float32)
    return inp

def reference(user, item, user_gender, user_age, user_occupation, user_neighbor, item_neighbor,
              W_user_gmf, W_item_gmf, W_user_sage, W_item_sage, W_gender, W_age, W_occ,
              W_all, b_all, W_cu, b_cu, W_ci, b_ci, W_p1, b_p1, W_p2, b_p2):
    # model = 'features_sage' -> 'features' branch + 'sage' branch
    user_id_embed = jnp.take(W_user_gmf, user, axis=0)
    item_id_embed = jnp.take(W_item_gmf, item, axis=0)
    user_age_embed = jnp.take(W_age, user_age, axis=0)
    user_gender_embed = jnp.take(W_gender, user_gender, axis=0)
    user_occupation_embed = jnp.take(W_occ, user_occupation, axis=0)
    user_embed_tmp = jnp.concatenate(
        [user_id_embed, user_occupation_embed, user_age_embed, user_gender_embed], axis=-1) @ W_all + b_all
    user_GMF_embed, item_GMF_embed = user_embed_tmp, item_id_embed
    # sage branch: neighbor gather + mean aggregation
    user_neighbors_embed = jnp.take(W_item_sage, user_neighbor, axis=0)  # [B, NB, F]
    item_neighbors_embed = jnp.take(W_user_sage, item_neighbor, axis=0)  # [B, NB, F]
    user_sage_embed = jnp.mean(user_neighbors_embed, axis=1)
    item_sage_embed = jnp.mean(item_neighbors_embed, axis=1)
    user_embed_final = jnp.concatenate([user_GMF_embed, user_sage_embed], axis=-1) @ W_cu + b_cu
    item_embed_final = jnp.concatenate([item_GMF_embed, item_sage_embed], axis=-1) @ W_ci + b_ci
    output_embedding = user_embed_final * item_embed_final
    prediction = ((output_embedding @ W_p1 + b_p1) @ W_p2 + b_p2).reshape(-1)
    return prediction

if __name__ == "__main__":
    import jax
    _d = setup_inputs()
    print(jax.jit(kernel)(*tuple(_d.values())))

</pallas_src>

<mosaic_0001>
#map = affine_map<(d0, d1) -> (0)>
#map1 = affine_map<(d0, d1) -> (0, 0)>
module attributes {stable_mosaic.version = 14 : i64} {
  func.func @_sc_gather_body(%arg0: i32, %arg1: i32, %arg2: memref<172032xi32, #tpu.memory_space<hbm>>, %arg3: memref<100000x128xf32, #tpu.memory_space<hbm>>, %arg4: memref<100000x128xf32, #tpu.memory_space<hbm>>, %arg5: memref<100000x128xf32, #tpu.memory_space<hbm>>, %arg6: memref<100000x128xf32, #tpu.memory_space<hbm>>, %arg7: memref<4096x128xf32, #tpu.memory_space<hbm>>, %arg8: memref<4096x128xf32, #tpu.memory_space<hbm>>, %arg9: memref<4096x128xf32, #tpu.memory_space<hbm>>, %arg10: memref<4096x128xf32, #tpu.memory_space<hbm>>, %arg11: memref<128xi32, #tpu.memory_space<vmem>>, %arg12: memref<128xi32, #tpu.memory_space<vmem>>, %arg13: memref<2560xi32, #tpu.memory_space<vmem>>, %arg14: memref<2560xi32, #tpu.memory_space<vmem>>, %arg15: memref<80x128xf32, #tpu.memory_space<vmem>>, %arg16: memref<80x128xf32, #tpu.memory_space<vmem>>, %arg17: memref<80x128xf32, #tpu.memory_space<vmem>>, %arg18: memref<80x128xf32, #tpu.memory_space<vmem>>, %arg19: memref<128x128xf32, #tpu.memory_space<vmem>>, %arg20: memref<256x128xf32, #tpu.memory_space<vmem>>, %arg21: memref<!tpu.dma_semaphore, #tpu.memory_space<semaphore_mem>>, %arg22: memref<!tpu.dma_semaphore, #tpu.memory_space<semaphore_mem>>, %arg23: memref<!tpu.dma_semaphore, #tpu.memory_space<semaphore_mem>>, %arg24: memref<!tpu.dma_semaphore, #tpu.memory_space<semaphore_mem>>, %arg25: memref<!tpu.dma_semaphore, #tpu.memory_space<semaphore_mem>>, %arg26: memref<!tpu.dma_semaphore, #tpu.memory_space<semaphore_mem>>) attributes {dimension_semantics = [#tpu.dimension_semantics<core_parallel>, #tpu.dimension_semantics<subcore_parallel>], iteration_bounds = array<i64: 2, 16>, scalar_prefetch = 0 : i64, scratch_operands = 16 : i64, tpu.core_type = #tpu.core_type<sc_vector_subcore>, window_params = [{transform_indices = #map}, {transform_indices = #map1}, {transform_indices = #map1}, {transform_indices = #map1}, {transform_indices = #map1}, {transform_indices = #map1}, {transform_indices = #map1}, {transform_indices = #map1}, {transform_indices = #map1}]} {
    %mul3A = arith.constant 2 : i32
    %mul3A_0 = arith.muli %arg1, %mul3A : i32
    %add3A = arith.addi %mul3A_0, %arg0 : i32
    %mul3A_1 = arith.constant 128 : i32
    %mul3A_2 = arith.muli %add3A, %mul3A_1 : i32
    "tpu.region"() ({
      %run_scoped3A = tpu.sem_alloc : memref<!tpu.dma_semaphore, #tpu.memory_space<semaphore_mem>>
      %dma_start3A_104 = tpu.memref_slice %arg2[%mul3A_2] : memref<172032xi32, #tpu.memory_space<hbm>> -> memref<128xi32, #tpu.memory_space<hbm>>
      %dma_start3A_105 = tpu.memref_slice %arg2[%mul3A_2] : memref<172032xi32, #tpu.memory_space<hbm>> -> memref<128xi32, #tpu.memory_space<hbm>>
      tpu.enqueue_dma source(%dma_start3A_105 : memref<128xi32, #tpu.memory_space<hbm>>) target(%arg11 : memref<128xi32, #tpu.memory_space<vmem>>) target_semaphore(%run_scoped3A : memref<!tpu.dma_semaphore, #tpu.memory_space<semaphore_mem>>)
      %dma_wait3A_106 = tpu.memref_slice %arg2[%mul3A_2] : memref<172032xi32, #tpu.memory_space<hbm>> -> memref<128xi32, #tpu.memory_space<hbm>>
      %dma_wait3A_107 = tpu.memref_slice %arg2[%mul3A_2] : memref<172032xi32, #tpu.memory_space<hbm>> -> memref<128xi32, #tpu.memory_space<hbm>>
      tpu.wait_dma2 semaphore(%run_scoped3A : memref<!tpu.dma_semaphore, #tpu.memory_space<semaphore_mem>>) src(%dma_wait3A_107 : memref<128xi32, #tpu.memory_space<hbm>>) dst(%arg11 : memref<128xi32, #tpu.memory_space<vmem>>)
      tpu.yield
    }) : () -> ()
    %add3A_3 = arith.constant 4096 : i32
    %add3A_4 = arith.addi %add3A_3, %mul3A_2 : i32
    "tpu.region"() ({
      %run_scoped3A = tpu.sem_alloc : memref<!tpu.dma_semaphore, #tpu.memory_space<semaphore_mem>>
      %dma_start3A_104 = tpu.memref_slice %arg2[%add3A_4] : memref<172032xi32, #tpu.memory_space<hbm>> -> memref<128xi32, #tpu.memory_space<hbm>>
      %dma_start3A_105 = tpu.memref_slice %arg2[%add3A_4] : memref<172032xi32, #tpu.memory_space<hbm>> -> memref<128xi32, #tpu.memory_space<hbm>>
      tpu.enqueue_dma source(%dma_start3A_105 : memref<128xi32, #tpu.memory_space<hbm>>) target(%arg12 : memref<128xi32, #tpu.memory_space<vmem>>) target_semaphore(%run_scoped3A : memref<!tpu.dma_semaphore, #tpu.memory_space<semaphore_mem>>)
      %dma_wait3A_106 = tpu.memref_slice %arg2[%add3A_4] : memref<172032xi32, #tpu.memory_space<hbm>> -> memref<128xi32, #tpu.memory_space<hbm>>
      %dma_wait3A_107 = tpu.memref_slice %arg2[%add3A_4] : memref<172032xi32, #tpu.memory_space<hbm>> -> memref<128xi32, #tpu.memory_space<hbm>>
      tpu.wait_dma2 semaphore(%run_scoped3A : memref<!tpu.dma_semaphore, #tpu.memory_space<semaphore_mem>>) src(%dma_wait3A_107 : memref<128xi32, #tpu.memory_space<hbm>>) dst(%arg12 : memref<128xi32, #tpu.memory_space<vmem>>)
      tpu.yield
    }) : () -> ()
    %dma_start3A = arith.constant 0 : i32
    %dma_start3A_5 = arith.constant 0 : i32
    %dma_start3A_6 = tpu.memref_slice %arg20[%dma_start3A, %dma_start3A_5] : memref<256x128xf32, #tpu.memory_space<vmem>> -> memref<128x128xf32, #tpu.memory_space<vmem>>
    %dma_start3A_7 = arith.constant 0 : i32
    %dma_start3A_8 = arith.constant 0 : i32
    %dma_start3A_9 = tpu.memref_slice %arg3[%dma_start3A_7, %dma_start3A_8] : memref<100000x128xf32, #tpu.memory_space<hbm>> -> memref<100000x128xf32, #tpu.memory_space<hbm>>
    tpu.enqueue_indirect_dma source(%dma_start3A_9 : memref<100000x128xf32, #tpu.memory_space<hbm>>) target(%dma_start3A_6 : memref<128x128xf32, #tpu.memory_space<vmem>>) offsets(%arg11 : memref<128xi32, #tpu.memory_space<vmem>>) semaphore(%arg25 : memref<!tpu.dma_semaphore, #tpu.memory_space<semaphore_mem>>)
    %dma_start3A_10 = arith.constant 128 : i32
    %dma_start3A_11 = arith.constant 0 : i32
    %dma_start3A_12 = tpu.memref_slice %arg20[%dma_start3A_10, %dma_start3A_11] : memref<256x128xf32, #tpu.memory_space<vmem>> -> memref<128x128xf32, #tpu.memory_space<vmem>>
    %dma_start3A_13 = arith.constant 0 : i32
    %dma_start3A_14 = arith.constant 0 : i32
    %dma_start3A_15 = tpu.memref_slice %arg4[%dma_start3A_13, %dma_start3A_14] : memref<100000x128xf32, #tpu.memory_space<hbm>> -> memref<100000x128xf32, #tpu.memory_space<hbm>>
    tpu.enqueue_indirect_dma source(%dma_start3A_15 : memref<100000x128xf32, #tpu.memory_space<hbm>>) target(%dma_start3A_12 : memref<128x128xf32, #tpu.memory_space<vmem>>) offsets(%arg12 : memref<128xi32, #tpu.memory_space<vmem>>) semaphore(%arg25 : memref<!tpu.dma_semaphore, #tpu.memory_space<semaphore_mem>>)
    %mul3A_16 = arith.constant 20 : i32
    %mul3A_17 = arith.muli %mul3A_2, %mul3A_16 : i32
    %add3A_18 = arith.constant 8192 : i32
    %add3A_19 = arith.addi %add3A_18, %mul3A_17 : i32
    "tpu.region"() ({
      %run_scoped3A = tpu.sem_alloc : memref<!tpu.dma_semaphore, #tpu.memory_space<semaphore_mem>>
      %dma_start3A_104 = tpu.memref_slice %arg2[%add3A_19] : memref<172032xi32, #tpu.memory_space<hbm>> -> memref<2560xi32, #tpu.memory_space<hbm>>
      %dma_start3A_105 = tpu.memref_slice %arg2[%add3A_19] : memref<172032xi32, #tpu.memory_space<hbm>> -> memref<2560xi32, #tpu.memory_space<hbm>>
      tpu.enqueue_dma source(%dma_start3A_105 : memref<2560xi32, #tpu.memory_space<hbm>>) target(%arg13 : memref<2560xi32, #tpu.memory_space<vmem>>) target_semaphore(%run_scoped3A : memref<!tpu.dma_semaphore, #tpu.memory_space<semaphore_mem>>)
      %dma_wait3A_106 = tpu.memref_slice %arg2[%add3A_19] : memref<172032xi32, #tpu.memory_space<hbm>> -> memref<2560xi32, #tpu.memory_space<hbm>>
      %dma_wait3A_107 = tpu.memref_slice %arg2[%add3A_19] : memref<172032xi32, #tpu.memory_space<hbm>> -> memref<2560xi32, #tpu.memory_space<hbm>>
      tpu.wait_dma2 semaphore(%run_scoped3A : memref<!tpu.dma_semaphore, #tpu.memory_space<semaphore_mem>>) src(%dma_wait3A_107 : memref<2560xi32, #tpu.memory_space<hbm>>) dst(%arg13 : memref<2560xi32, #tpu.memory_space<vmem>>)
      tpu.yield
    }) : () -> ()
    %mul3A_20 = arith.constant 20 : i32
    %mul3A_21 = arith.muli %mul3A_2, %mul3A_20 : i32
    %add3A_22 = arith.constant 90112 : i32
    %add3A_23 = arith.addi %add3A_22, %mul3A_21 : i32
    %dma_start3A_24 = tpu.memref_slice %arg2[%add3A_23] : memref<172032xi32, #tpu.memory_space<hbm>> -> memref<2560xi32, #tpu.memory_space<hbm>>
    %dma_start3A_25 = tpu.memref_slice %arg2[%add3A_23] : memref<172032xi32, #tpu.memory_space<hbm>> -> memref<2560xi32, #tpu.memory_space<hbm>>
    tpu.enqueue_dma source(%dma_start3A_25 : memref<2560xi32, #tpu.memory_space<hbm>>) target(%arg14 : memref<2560xi32, #tpu.memory_space<vmem>>) target_semaphore(%arg26 : memref<!tpu.dma_semaphore, #tpu.memory_space<semaphore_mem>>)
    %dma_start3A_26 = arith.constant 0 : i32
    %dma_start3A_27 = tpu.memref_slice %arg13[%dma_start3A_26] : memref<2560xi32, #tpu.memory_space<vmem>> -> memref<80xi32, #tpu.memory_space<vmem>>
    %dma_start3A_28 = arith.constant 0 : i32
    %dma_start3A_29 = arith.constant 0 : i32
    %dma_start3A_30 = tpu.memref_slice %arg6[%dma_start3A_28, %dma_start3A_29] : memref<100000x128xf32, #tpu.memory_space<hbm>> -> memref<100000x128xf32, #tpu.memory_space<hbm>>
    tpu.enqueue_indirect_dma source(%dma_start3A_30 : memref<100000x128xf32, #tpu.memory_space<hbm>>) target(%arg15 : memref<80x128xf32, #tpu.memory_space<vmem>>) offsets(%dma_start3A_27 : memref<80xi32, #tpu.memory_space<vmem>>) semaphore(%arg21 : memref<!tpu.dma_semaphore, #tpu.memory_space<semaphore_mem>>)
    %dma_start3A_31 = arith.constant 80 : i32
    %dma_start3A_32 = tpu.memref_slice %arg13[%dma_start3A_31] : memref<2560xi32, #tpu.memory_space<vmem>> -> memref<80xi32, #tpu.memory_space<vmem>>
    %dma_start3A_33 = arith.constant 0 : i32
    %dma_start3A_34 = arith.constant 0 : i32
    %dma_start3A_35 = tpu.memref_slice %arg6[%dma_start3A_33, %dma_start3A_34] : memref<100000x128xf32, #tpu.memory_space<hbm>> -> memref<100000x128xf32, #tpu.memory_space<hbm>>
    tpu.enqueue_indirect_dma source(%dma_start3A_35 : memref<100000x128xf32, #tpu.memory_space<hbm>>) target(%arg16 : memref<80x128xf32, #tpu.memory_space<vmem>>) offsets(%dma_start3A_32 : memref<80xi32, #tpu.memory_space<vmem>>) semaphore(%arg22 : memref<!tpu.dma_semaphore, #tpu.memory_space<semaphore_mem>>)
    %dma_start3A_36 = arith.constant 160 : i32
    %dma_start3A_37 = tpu.memref_slice %arg13[%dma_start3A_36] : memref<2560xi32, #tpu.memory_space<vmem>> -> memref<80xi32, #tpu.memory_space<vmem>>
    %dma_start3A_38 = arith.constant 0 : i32
    %dma_start3A_39 = arith.constant 0 : i32
    %dma_start3A_40 = tpu.memref_slice %arg6[%dma_start3A_38, %dma_start3A_39] : memref<100000x128xf32, #tpu.memory_space<hbm>> -> memref<100000x128xf32, #tpu.memory_space<hbm>>
    tpu.enqueue_indirect_dma source(%dma_start3A_40 : memref<100000x128xf32, #tpu.memory_space<hbm>>) target(%arg17 : memref<80x128xf32, #tpu.memory_space<vmem>>) offsets(%dma_start3A_37 : memref<80xi32, #tpu.memory_space<vmem>>) semaphore(%arg23 : memref<!tpu.dma_semaphore, #tpu.memory_space<semaphore_mem>>)
    %dma_start3A_41 = arith.constant 240 : i32
    %dma_start3A_42 = tpu.memref_slice %arg13[%dma_start3A_41] : memref<2560xi32, #tpu.memory_space<vmem>> -> memref<80xi32, #tpu.memory_space<vmem>>
    %dma_start3A_43 = arith.constant 0 : i32
    %dma_start3A_44 = arith.constant 0 : i32
    %dma_start3A_45 = tpu.memref_slice %arg6[%dma_start3A_43, %dma_start3A_44] : memref<100000x128xf32, #tpu.memory_space<hbm>> -> memref<100000x128xf32, #tpu.memory_space<hbm>>
    tpu.enqueue_indirect_dma source(%dma_start3A_45 : memref<100000x128xf32, #tpu.memory_space<hbm>>) target(%arg18 : memref<80x128xf32, #tpu.memory_space<vmem>>) offsets(%dma_start3A_42 : memref<80xi32, #tpu.memory_space<vmem>>) semaphore(%arg24 : memref<!tpu.dma_semaphore, #tpu.memory_space<semaphore_mem>>)
    %dma_wait3A = arith.constant 0 : i32
    %dma_wait3A_46 = arith.constant 0 : i32
    %dma_wait3A_47 = tpu.memref_slice %arg20[%dma_wait3A, %dma_wait3A_46] : memref<256x128xf32, #tpu.memory_space<vmem>> -> memref<128x128xf32, #tpu.memory_space<vmem>>
    %dma_wait3A_48 = arith.constant 0 : i32
    %dma_wait3A_49 = arith.constant 0 : i32
    %dma_wait3A_50 = tpu.memref_slice %arg3[%dma_wait3A_48, %dma_wait3A_49] : memref<100000x128xf32, #tpu.memory_space<hbm>> -> memref<100000x128xf32, #tpu.memory_space<hbm>>
    tpu.wait_indirect_dma semaphore(%arg25 : memref<!tpu.dma_semaphore, #tpu.memory_space<semaphore_mem>>) src(%dma_wait3A_50 : memref<100000x128xf32, #tpu.memory_space<hbm>>) dst(%dma_wait3A_47 : memref<128x128xf32, #tpu.memory_space<vmem>>)
    %dma_wait3A_51 = arith.constant 128 : i32
    %dma_wait3A_52 = arith.constant 0 : i32
    %dma_wait3A_53 = tpu.memref_slice %arg20[%dma_wait3A_51, %dma_wait3A_52] : memref<256x128xf32, #tpu.memory_space<vmem>> -> memref<128x128xf32, #tpu.memory_space<vmem>>
    %dma_wait3A_54 = arith.constant 0 : i32
    %dma_wait3A_55 = arith.constant 0 : i32
    %dma_wait3A_56 = tpu.memref_slice %arg4[%dma_wait3A_54, %dma_wait3A_55] : memref<100000x128xf32, #tpu.memory_space<hbm>> -> memref<100000x128xf32, #tpu.memory_space<hbm>>
    tpu.wait_indirect_dma semaphore(%arg25 : memref<!tpu.dma_semaphore, #tpu.memory_space<semaphore_mem>>) src(%dma_wait3A_56 : memref<100000x128xf32, #tpu.memory_space<hbm>>) dst(%dma_wait3A_53 : memref<128x128xf32, #tpu.memory_space<vmem>>)
    %dma_start3A_57 = arith.constant 0 : i32
    %dma_start3A_58 = arith.constant 0 : i32
    %dma_start3A_59 = tpu.memref_slice %arg20[%dma_start3A_57, %dma_start3A_58] : memref<256x128xf32, #tpu.memory_space<vmem>> -> memref<128x128xf32, #tpu.memory_space<vmem>>
    %dma_start3A_60 = arith.constant 0 : i32
    %dma_start3A_61 = tpu.memref_slice %arg7[%mul3A_2, %dma_start3A_60] : memref<4096x128xf32, #tpu.memory_space<hbm>> -> memref<128x128xf32, #tpu.memory_space<hbm>>
    %dma_start3A_62 = arith.constant 0 : i32
    %dma_start3A_63 = tpu.memref_slice %arg7[%mul3A_2, %dma_start3A_62] : memref<4096x128xf32, #tpu.memory_space<hbm>> -> memref<128x128xf32, #tpu.memory_space<hbm>>
    %dma_start3A_64 = arith.constant 0 : i32
    %dma_start3A_65 = arith.constant 0 : i32
    %dma_start3A_66 = tpu.memref_slice %arg20[%dma_start3A_64, %dma_start3A_65] : memref<256x128xf32, #tpu.memory_space<vmem>> -> memref<128x128xf32, #tpu.memory_space<vmem>>
    tpu.enqueue_dma source(%dma_start3A_66 : memref<128x128xf32, #tpu.memory_space<vmem>>) target(%dma_start3A_63 : memref<128x128xf32, #tpu.memory_space<hbm>>) target_semaphore(%arg25 : memref<!tpu.dma_semaphore, #tpu.memory_space<semaphore_mem>>)
    %dma_start3A_67 = arith.constant 128 : i32
    %dma_start3A_68 = arith.constant 0 : i32
    %dma_start3A_69 = tpu.memref_slice %arg20[%dma_start3A_67, %dma_start3A_68] : memref<256x128xf32, #tpu.memory_space<vmem>> -> memref<128x128xf32, #tpu.memory_space<vmem>>
    %dma_start3A_70 = arith.constant 0 : i32
    %dma_start3A_71 = tpu.memref_slice %arg8[%mul3A_2, %dma_start3A_70] : memref<4096x128xf32, #tpu.memory_space<hbm>> -> memref<128x128xf32, #tpu.memory_space<hbm>>
    %dma_start3A_72 = arith.constant 0 : i32
    %dma_start3A_73 = tpu.memref_slice %arg8[%mul3A_2, %dma_start3A_72] : memref<4096x128xf32, #tpu.memory_space<hbm>> -> memref<128x128xf32, #tpu.memory_space<hbm>>
    %dma_start3A_74 = arith.constant 128 : i32
    %dma_start3A_75 = arith.constant 0 : i32
    %dma_start3A_76 = tpu.memref_slice %arg20[%dma_start3A_74, %dma_start3A_75] : memref<256x128xf32, #tpu.memory_space<vmem>> -> memref<128x128xf32, #tpu.memory_space<vmem>>
    tpu.enqueue_dma source(%dma_start3A_76 : memref<128x128xf32, #tpu.memory_space<vmem>>) target(%dma_start3A_73 : memref<128x128xf32, #tpu.memory_space<hbm>>) target_semaphore(%arg25 : memref<!tpu.dma_semaphore, #tpu.memory_space<semaphore_mem>>)
    %dma_wait3A_77 = tpu.memref_slice %arg2[%add3A_23] : memref<172032xi32, #tpu.memory_space<hbm>> -> memref<2560xi32, #tpu.memory_space<hbm>>
    %dma_wait3A_78 = tpu.memref_slice %arg2[%add3A_23] : memref<172032xi32, #tpu.memory_space<hbm>> -> memref<2560xi32, #tpu.memory_space<hbm>>
    tpu.wait_dma2 semaphore(%arg26 : memref<!tpu.dma_semaphore, #tpu.memory_space<semaphore_mem>>) src(%dma_wait3A_78 : memref<2560xi32, #tpu.memory_space<hbm>>) dst(%arg14 : memref<2560xi32, #tpu.memory_space<vmem>>)
    %scan3A = arith.constant 0 : i32
    %scan3A_79 = arith.constant 0 : i32
    %scan3A_80 = arith.constant 16 : i32
    %scan3A_81 = arith.addi %scan3A_79, %scan3A_80 : i32
    %scan3A_82 = arith.constant 1 : i32
    scf.for %scan3A_104 = %scan3A_79 to %scan3A_81 step %scan3A_82  : i32 {
      %mul3A_105 = arith.constant 4 : i32
      %mul3A_106 = arith.muli %mul3A_105, %scan3A_104 : i32
      %add3A_107 = arith.constant 0 : i32
      %add3A_108 = arith.addi %mul3A_106, %add3A_107 : i32
      %dma_wait3A_109 = arith.constant 0 : i32
      %dma_wait3A_110 = tpu.memref_slice %arg13[%dma_wait3A_109] : memref<2560xi32, #tpu.memory_space<vmem>> -> memref<80xi32, #tpu.memory_space<vmem>>
      %dma_wait3A_111 = arith.constant 0 : i32
      %dma_wait3A_112 = arith.constant 0 : i32
      %dma_wait3A_113 = tpu.memref_slice %arg6[%dma_wait3A_111, %dma_wait3A_112] : memref<100000x128xf32, #tpu.memory_space<hbm>> -> memref<100000x128xf32, #tpu.memory_space<hbm>>
      tpu.wait_indirect_dma semaphore(%arg21 : memref<!tpu.dma_semaphore, #tpu.memory_space<semaphore_mem>>) src(%dma_wait3A_113 : memref<100000x128xf32, #tpu.memory_space<hbm>>) dst(%arg15 : memref<80x128xf32, #tpu.memory_space<vmem>>)
      %mul3A_114 = arith.constant 4 : i32
      %mul3A_115 = arith.muli %mul3A_114, %add3A_108 : i32
      %ge3A = arith.constant 32 : i32
      %ge3A_116 = arith.cmpi sge, %add3A_108, %ge3A : i32
      %jit3A = arith.constant 128 : i32
      %jit3A_117 = arith.constant 0 : i32
      %select_n3A = arith.select %ge3A_116, %jit3A, %jit3A_117 : i32
      %sub3A = arith.subi %mul3A_115, %select_n3A : i32
      %scan3A_118 = arith.constant 0 : i32
      %scan3A_119 = arith.constant 0 : i32
      %scan3A_120 = arith.constant 4 : i32
      %scan3A_121 = arith.addi %scan3A_119, %scan3A_120 : i32
      %scan3A_122 = arith.constant 1 : i32
      scf.for %scan3A_268 = %scan3A_119 to %scan3A_121 step %scan3A_122  : i32 {
        %mul3A_269 = arith.constant 20 : i32
        %mul3A_270 = arith.muli %mul3A_269, %scan3A_268 : i32
        %get3A = arith.index_cast %mul3A_270 : i32 to index
        %get3A_271 = arith.constant 0 : index
        %get3A_272 = tpu.vector_load %arg15[%get3A, %get3A_271] {strides = array<i32>} : memref<80x128xf32, #tpu.memory_space<vmem>>, vector<1x16xf32>,
        %get3A_273 = vector.shape_cast %get3A_272 : vector<1x16xf32> to vector<16xf32>
        %add3A_274 = arith.constant 1 : i32
        %add3A_275 = arith.addi %mul3A_270, %add3A_274 : i32
        %get3A_276 = arith.index_cast %add3A_275 : i32 to index
        %get3A_277 = arith.constant 0 : index
        %get3A_278 = tpu.vector_load %arg15[%get3A_276, %get3A_277] {strides = array<i32>} : memref<80x128xf32, #tpu.memory_space<vmem>>, vector<1x16xf32>,
        %get3A_279 = vector.shape_cast %get3A_278 : vector<1x16xf32> to vector<16xf32>
        %add3A_280 = arith.addf %get3A_273, %get3A_279 : vector<16xf32>
        %get3A_281 = arith.index_cast %mul3A_270 : i32 to index
        %get3A_282 = arith.constant 16 : index
        %get3A_283 = tpu.vector_load %arg15[%get3A_281, %get3A_282] {strides = array<i32>} : memref<80x128xf32, #tpu.memory_space<vmem>>, vector<1x16xf32>,
        %get3A_284 = vector.shape_cast %get3A_283 : vector<1x16xf32> to vector<16xf32>
        %add3A_285 = arith.constant 1 : i32
        %add3A_286 = arith.addi %mul3A_270, %add3A_285 : i32
        %get3A_287 = arith.index_cast %add3A_286 : i32 to index
        %get3A_288 = arith.constant 16 : index
        %get3A_289 = tpu.vector_load %arg15[%get3A_287, %get3A_288] {strides = array<i32>} : memref<80x128xf32, #tpu.memory_space<vmem>>, vector<1x16xf32>,
        %get3A_290 = vector.shape_cast %get3A_289 : vector<1x16xf32> to vector<16xf32>
        %add3A_291 = arith.addf %get3A_284, %get3A_290 : vector<16xf32>
        %get3A_292 = arith.index_cast %mul3A_270 : i32 to index
        %get3A_293 = arith.constant 32 : index
        %get3A_294 = tpu.vector_load %arg15[%get3A_292, %get3A_293] {strides = array<i32>} : memref<80x128xf32, #tpu.memory_space<vmem>>, vector<1x16xf32>,
        %get3A_295 = vector.shape_cast %get3A_294 : vector<1x16xf32> to vector<16xf32>
        %add3A_296 = arith.constant 1 : i32
        %add3A_297 = arith.addi %mul3A_270, %add3A_296 : i32
        %get3A_298 = arith.index_cast %add3A_297 : i32 to index
        %get3A_299 = arith.constant 32 : index
        %get3A_300 = tpu.vector_load %arg15[%get3A_298, %get3A_299] {strides = array<i32>} : memref<80x128xf32, #tpu.memory_space<vmem>>, vector<1x16xf32>,
        %get3A_301 = vector.shape_cast %get3A_300 : vector<1x16xf32> to vector<16xf32>
        %add3A_302 = arith.addf %get3A_295, %get3A_301 : vector<16xf32>
        %get3A_303 = arith.index_cast %mul3A_270 : i32 to index
        %get3A_304 = arith.constant 48 : index
        %get3A_305 = tpu.vector_load %arg15[%get3A_303, %get3A_304] {strides = array<i32>} : memref<80x128xf32, #tpu.memory_space<vmem>>, vector<1x16xf32>,
        %get3A_306 = vector.shape_cast %get3A_305 : vector<1x16xf32> to vector<16xf32>
        %add3A_307 = arith.constant 1 : i32
        %add3A_308 = arith.addi %mul3A_270, %add3A_307 : i32
        %get3A_309 = arith.index_cast %add3A_308 : i32 to index
        %get3A_310 = arith.constant 48 : index
        %get3A_311 = tpu.vector_load %arg15[%get3A_309, %get3A_310] {strides = array<i32>} : memref<80x128xf32, #tpu.memory_space<vmem>>, vector<1x16xf32>,
        %get3A_312 = vector.shape_cast %get3A_311 : vector<1x16xf32> to vector<16xf32>
        %add3A_313 = arith.addf %get3A_306, %get3A_312 : vector<16xf32>
        %get3A_314 = arith.index_cast %mul3A_270 : i32 to index
        %get3A_315 = arith.constant 64 : index
        %get3A_316 = tpu.vector_load %arg15[%get3A_314, %get3A_315] {strides = array<i32>} : memref<80x128xf32, #tpu.memory_space<vmem>>, vector<1x16xf32>,
        %get3A_317 = vector.shape_cast %get3A_316 : vector<1x16xf32> to vector<16xf32>
        %add3A_318 = arith.constant 1 : i32
        %add3A_319 = arith.addi %mul3A_270, %add3A_318 : i32
        %get3A_320 = arith.index_cast %add3A_319 : i32 to index
        %get3A_321 = arith.constant 64 : index
        %get3A_322 = tpu.vector_load %arg15[%get3A_320, %get3A_321] {strides = array<i32>} : memref<80x128xf32, #tpu.memory_space<vmem>>, vector<1x16xf32>,
        %get3A_323 = vector.shape_cast %get3A_322 : vector<1x16xf32> to vector<16xf32>
        %add3A_324 = arith.addf %get3A_317, %get3A_323 : vector<16xf32>
        %get3A_325 = arith.index_cast %mul3A_270 : i32 to index
        %get3A_326 = arith.constant 80 : index
        %get3A_327 = tpu.vector_load %arg15[%get3A_325, %get3A_326] {strides = array<i32>} : memref<80x128xf32, #tpu.memory_space<vmem>>, vector<1x16xf32>,
        %get3A_328 = vector.shape_cast %get3A_327 : vector<1x16xf32> to vector<16xf32>
        %add3A_329 = arith.constant 1 : i32
        %add3A_330 = arith.addi %mul3A_270, %add3A_329 : i32
        %get3A_331 = arith.index_cast %add3A_330 : i32 to index
        %get3A_332 = arith.constant 80 : index
        %get3A_333 = tpu.vector_load %arg15[%get3A_331, %get3A_332] {strides = array<i32>} : memref<80x128xf32, #tpu.memory_space<vmem>>, vector<1x16xf32>,
        %get3A_334 = vector.shape_cast %get3A_333 : vector<1x16xf32> to vector<16xf32>
        %add3A_335 = arith.addf %get3A_328, %get3A_334 : vector<16xf32>
        %get3A_336 = arith.index_cast %mul3A_270 : i32 to index
        %get3A_337 = arith.constant 96 : index
        %get3A_338 = tpu.vector_load %arg15[%get3A_336, %get3A_337] {strides = array<i32>} : memref<80x128xf32, #tpu.memory_space<vmem>>, vector<1x16xf32>,
        %get3A_339 = vector.shape_cast %get3A_338 : vector<1x16xf32> to vector<16xf32>
        %add3A_340 = arith.constant 1 : i32
        %add3A_341 = arith.addi %mul3A_270, %add3A_340 : i32
        %get3A_342 = arith.index_cast %add3A_341 : i32 to index
        %get3A_343 = arith.constant 96 : index
        %get3A_344 = tpu.vector_load %arg15[%get3A_342, %get3A_343] {strides = array<i32>} : memref<80x128xf32, #tpu.memory_space<vmem>>, vector<1x16xf32>,
        %get3A_345 = vector.shape_cast %get3A_344 : vector<1x16xf32> to vector<16xf32>
        %add3A_346 = arith.addf %get3A_339, %get3A_345 : vector<16xf32>
        %get3A_347 = arith.index_cast %mul3A_270 : i32 to index
        %get3A_348 = arith.constant 112 : index
        %get3A_349 = tpu.vector_load %arg15[%get3A_347, %get3A_348] {strides = array<i32>} : memref<80x128xf32, #tpu.memory_space<vmem>>, vector<1x16xf32>,
        %get3A_350 = vector.shape_cast %get3A_349 : vector<1x16xf32> to vector<16xf32>
        %add3A_351 = arith.constant 1 : i32
        %add3A_352 = arith.addi %mul3A_270, %add3A_351 : i32
        %get3A_353 = arith.index_cast %add3A_352 : i32 to index
        %get3A_354 = arith.constant 112 : index
        %get3A_355 = tpu.vector_load %arg15[%get3A_353, %get3A_354] {strides = array<i32>} : memref<80x128xf32, #tpu.memory_space<vmem>>, vector<1x16xf32>,
        %get3A_356 = vector.shape_cast %get3A_355 : vector<1x16xf32> to vector<16xf32>
        %add3A_357 = arith.addf %get3A_350, %get3A_356 : vector<16xf32>
        %scan3A_358 = arith.constant 1 : i32
        %scan3A_359 = arith.constant 9 : i32
        %scan3A_360 = arith.addi %scan3A_358, %scan3A_359 : i32
        %scan3A_361 = arith.constant 1 : i32
        %scan3A_362:8 = scf.for %scan3A_411 = %scan3A_358 to %scan3A_360 step %scan3A_361 iter_args(%scan3A_412 = %add3A_280, %scan3A_413 = %add3A_291, %scan3A_414 = %add3A_302, %scan3A_415 = %add3A_313, %scan3A_416 = %add3A_324, %scan3A_417 = %add3A_335, %scan3A_418 = %add3A_346, %scan3A_419 = %add3A_357) -> (vector<16xf32>, vector<16xf32>, vector<16xf32>, vector<16xf32>, vector<16xf32>, vector<16xf32>, vector<16xf32>, vector<16xf32>)  : i32 {
          %mul3A_420 = arith.constant 2 : i32
          %mul3A_421 = arith.muli %mul3A_420, %scan3A_411 : i32
          %add3A_422 = arith.addi %mul3A_270, %mul3A_421 : i32
          %get3A_423 = arith.index_cast %add3A_422 : i32 to index
          %get3A_424 = arith.constant 0 : index
          %get3A_425 = tpu.vector_load %arg15[%get3A_423, %get3A_424] {strides = array<i32>} : memref<80x128xf32, #tpu.memory_space<vmem>>, vector<1x16xf32>,
          %get3A_426 = vector.shape_cast %get3A_425 : vector<1x16xf32> to vector<16xf32>
          %add3A_427 = arith.addf %scan3A_412, %get3A_426 : vector<16xf32>
          %add3A_428 = arith.constant 1 : i32
          %add3A_429 = arith.addi %add3A_422, %add3A_428 : i32
          %get3A_430 = arith.index_cast %add3A_429 : i32 to index
          %get3A_431 = arith.constant 0 : index
          %get3A_432 = tpu.vector_load %arg15[%get3A_430, %get3A_431] {strides = array<i32>} : memref<80x128xf32, #tpu.memory_space<vmem>>, vector<1x16xf32>,
          %get3A_433 = vector.shape_cast %get3A_432 : vector<1x16xf32> to vector<16xf32>
          %add3A_434 = arith.addf %add3A_427, %get3A_433 : vector<16xf32>
          %get3A_435 = arith.index_cast %add3A_422 : i32 to index
          %get3A_436 = arith.constant 16 : index
          %get3A_437 = tpu.vector_load %arg15[%get3A_435, %get3A_436] {strides = array<i32>} : memref<80x128xf32, #tpu.memory_space<vmem>>, vector<1x16xf32>,
          %get3A_438 = vector.shape_cast %get3A_437 : vector<1x16xf32> to vector<16xf32>
          %add3A_439 = arith.addf %scan3A_413, %get3A_438 : vector<16xf32>
          %add3A_440 = arith.constant 1 : i32
          %add3A_441 = arith.addi %add3A_422, %add3A_440 : i32
          %get3A_442 = arith.index_cast %add3A_441 : i32 to index
          %get3A_443 = arith.constant 16 : index
          %get3A_444 = tpu.vector_load %arg15[%get3A_442, %get3A_443] {strides = array<i32>} : memref<80x128xf32, #tpu.memory_space<vmem>>, vector<1x16xf32>,
          %get3A_445 = vector.shape_cast %get3A_444 : vector<1x16xf32> to vector<16xf32>
          %add3A_446 = arith.addf %add3A_439, %get3A_445 : vector<16xf32>
          %get3A_447 = arith.index_cast %add3A_422 : i32 to index
          %get3A_448 = arith.constant 32 : index
          %get3A_449 = tpu.vector_load %arg15[%get3A_447, %get3A_448] {strides = array<i32>} : memref<80x128xf32, #tpu.memory_space<vmem>>, vector<1x16xf32>,
          %get3A_450 = vector.shape_cast %get3A_449 : vector<1x16xf32> to vector<16xf32>
          %add3A_451 = arith.addf %scan3A_414, %get3A_450 : vector<16xf32>
          %add3A_452 = arith.constant 1 : i32
          %add3A_453 = arith.addi %add3A_422, %add3A_452 : i32
          %get3A_454 = arith.index_cast %add3A_453 : i32 to index
          %get3A_455 = arith.constant 32 : index
          %get3A_456 = tpu.vector_load %arg15[%get3A_454, %get3A_455] {strides = array<i32>} : memref<80x128xf32, #tpu.memory_space<vmem>>, vector<1x16xf32>,
          %get3A_457 = vector.shape_cast %get3A_456 : vector<1x16xf32> to vector<16xf32>
          %add3A_458 = arith.addf %add3A_451, %get3A_457 : vector<16xf32>
          %get3A_459 = arith.index_cast %add3A_422 : i32 to index
          %get3A_460 = arith.constant 48 : index
          %get3A_461 = tpu.vector_load %arg15[%get3A_459, %get3A_460] {strides = array<i32>} : memref<80x128xf32, #tpu.memory_space<vmem>>, vector<1x16xf32>,
          %get3A_462 = vector.shape_cast %get3A_461 : vector<1x16xf32> to vector<16xf32>
          %add3A_463 = arith.addf %scan3A_415, %get3A_462 : vector<16xf32>
          %add3A_464 = arith.constant 1 : i32
          %add3A_465 = arith.addi %add3A_422, %add3A_464 : i32
          %get3A_466 = arith.index_cast %add3A_465 : i32 to index
          %get3A_467 = arith.constant 48 : index
          %get3A_468 = tpu.vector_load %arg15[%get3A_466, %get3A_467] {strides = array<i32>} : memref<80x128xf32, #tpu.memory_space<vmem>>, vector<1x16xf32>,
          %get3A_469 = vector.shape_cast %get3A_468 : vector<1x16xf32> to vector<16xf32>
          %add3A_470 = arith.addf %add3A_463, %get3A_469 : vector<16xf32>
          %get3A_471 = arith.index_cast %add3A_422 : i32 to index
          %get3A_472 = arith.constant 64 : index
          %get3A_473 = tpu.vector_load %arg15[%get3A_471, %get3A_472] {strides = array<i32>} : memref<80x128xf32, #tpu.memory_space<vmem>>, vector<1x16xf32>,
          %get3A_474 = vector.shape_cast %get3A_473 : vector<1x16xf32> to vector<16xf32>
          %add3A_475 = arith.addf %scan3A_416, %get3A_474 : vector<16xf32>
          %add3A_476 = arith.constant 1 : i32
          %add3A_477 = arith.addi %add3A_422, %add3A_476 : i32
          %get3A_478 = arith.index_cast %add3A_477 : i32 to index
          %get3A_479 = arith.constant 64 : index
          %get3A_480 = tpu.vector_load %arg15[%get3A_478, %get3A_479] {strides = array<i32>} : memref<80x128xf32, #tpu.memory_space<vmem>>, vector<1x16xf32>,
          %get3A_481 = vector.shape_cast %get3A_480 : vector<1x16xf32> to vector<16xf32>
          %add3A_482 = arith.addf %add3A_475, %get3A_481 : vector<16xf32>
          %get3A_483 = arith.index_cast %add3A_422 : i32 to index
          %get3A_484 = arith.constant 80 : index
          %get3A_485 = tpu.vector_load %arg15[%get3A_483, %get3A_484] {strides = array<i32>} : memref<80x128xf32, #tpu.memory_space<vmem>>, vector<1x16xf32>,
          %get3A_486 = vector.shape_cast %get3A_485 : vector<1x16xf32> to vector<16xf32>
          %add3A_487 = arith.addf %scan3A_417, %get3A_486 : vector<16xf32>
          %add3A_488 = arith.constant 1 : i32
          %add3A_489 = arith.addi %add3A_422, %add3A_488 : i32
          %get3A_490 = arith.index_cast %add3A_489 : i32 to index
          %get3A_491 = arith.constant 80 : index
          %get3A_492 = tpu.vector_load %arg15[%get3A_490, %get3A_491] {strides = array<i32>} : memref<80x128xf32, #tpu.memory_space<vmem>>, vector<1x16xf32>,
          %get3A_493 = vector.shape_cast %get3A_492 : vector<1x16xf32> to vector<16xf32>
          %add3A_494 = arith.addf %add3A_487, %get3A_493 : vector<16xf32>
          %get3A_495 = arith.index_cast %add3A_422 : i32 to index
          %get3A_496 = arith.constant 96 : index
          %get3A_497 = tpu.vector_load %arg15[%get3A_495, %get3A_496] {strides = array<i32>} : memref<80x128xf32, #tpu.memory_space<vmem>>, vector<1x16xf32>,
          %get3A_498 = vector.shape_cast %get3A_497 : vector<1x16xf32> to vector<16xf32>
          %add3A_499 = arith.addf %scan3A_418, %get3A_498 : vector<16xf32>
          %add3A_500 = arith.constant 1 : i32
          %add3A_501 = arith.addi %add3A_422, %add3A_500 : i32
          %get3A_502 = arith.index_cast %add3A_501 : i32 to index
          %get3A_503 = arith.constant 96 : index
          %get3A_504 = tpu.vector_load %arg15[%get3A_502, %get3A_503] {strides = array<i32>} : memref<80x128xf32, #tpu.memory_space<vmem>>, vector<1x16xf32>,
          %get3A_505 = vector.shape_cast %get3A_504 : vector<1x16xf32> to vector<16xf32>
          %add3A_506 = arith.addf %add3A_499, %get3A_505 : vector<16xf32>
          %get3A_507 = arith.index_cast %add3A_422 : i32 to index
          %get3A_508 = arith.constant 112 : index
          %get3A_509 = tpu.vector_load %arg15[%get3A_507, %get3A_508] {strides = array<i32>} : memref<80x128xf32, #tpu.memory_space<vmem>>, vector<1x16xf32>,
          %get3A_510 = vector.shape_cast %get3A_509 : vector<1x16xf32> to vector<16xf32>
          %add3A_511 = arith.addf %scan3A_419, %get3A_510 : vector<16xf32>
          %add3A_512 = arith.constant 1 : i32
          %add3A_513 = arith.addi %add3A_422, %add3A_512 : i32
          %get3A_514 = arith.index_cast %add3A_513 : i32 to index
          %get3A_515 = arith.constant 112 : index
          %get3A_516 = tpu.vector_load %arg15[%get3A_514, %get3A_515] {strides = array<i32>} : memref<80x128xf32, #tpu.memory_space<vmem>>, vector<1x16xf32>,
          %get3A_517 = vector.shape_cast %get3A_516 : vector<1x16xf32> to vector<16xf32>
          %add3A_518 = arith.addf %add3A_511, %get3A_517 : vector<16xf32>
          scf.yield %add3A_434, %add3A_446, %add3A_458, %add3A_470, %add3A_482, %add3A_494, %add3A_506, %add3A_518 : vector<16xf32>, vector<16xf32>, vector<16xf32>, vector<16xf32>, vector<16xf32>, vector<16xf32>, vector<16xf32>, vector<16xf32>
        }
        %scan3A_363 = arith.constant 9 : i32
        %add3A_364 = arith.addi %sub3A, %scan3A_268 : i32
        %swap3A = arith.index_cast %add3A_364 : i32 to index
        %swap3A_365 = arith.constant 0 : index
        %swap3A_366 = tpu.vector_load %arg19[%swap3A, %swap3A_365] {strides = array<i32>} : memref<128x128xf32, #tpu.memory_space<vmem>>, vector<1x16xf32>,
        %swap3A_367 = vector.shape_cast %swap3A_366 : vector<1x16xf32> to vector<16xf32>
        %swap3A_368 = vector.shape_cast %scan3A_362#0 : vector<16xf32> to vector<1x16xf32>
        tpu.vector_store %arg19[%swap3A, %swap3A_365], %swap3A_368 {strides = array<i32>} : memref<128x128xf32, #tpu.memory_space<vmem>>, vector<1x16xf32>,
        %add3A_369 = arith.addi %sub3A, %scan3A_268 : i32
        %swap3A_370 = arith.index_cast %add3A_369 : i32 to index
        %swap3A_371 = arith.constant 16 : index
        %swap3A_372 = tpu.vector_load %arg19[%swap3A_370, %swap3A_371] {strides = array<i32>} : memref<128x128xf32, #tpu.memory_space<vmem>>, vector<1x16xf32>,
        %swap3A_373 = vector.shape_cast %swap3A_372 : vector<1x16xf32> to vector<16xf32>
        %swap3A_374 = vector.shape_cast %scan3A_362#1 : vector<16xf32> to vector<1x16xf32>
        tpu.vector_store %arg19[%swap3A_370, %swap3A_371], %swap3A_374 {strides = array<i32>} : memref<128x128xf32, #tpu.memory_space<vmem>>, vector<1x16xf32>,
        %add3A_375 = arith.addi %sub3A, %scan3A_268 : i32
        %swap3A_376 = arith.index_cast %add3A_375 : i32 to index
        %swap3A_377 = arith.constant 32 : index
        %swap3A_378 = tpu.vector_load %arg19[%swap3A_376, %swap3A_377] {strides = array<i32>} : memref<128x128xf32, #tpu.memory_space<vmem>>, vector<1x16xf32>,
        %swap3A_379 = vector.shape_cast %swap3A_378 : vector<1x16xf32> to vector<16xf32>
        %swap3A_380 = vector.shape_cast %scan3A_362#2 : vector<16xf32> to vector<1x16xf32>
        tpu.vector_store %arg19[%swap3A_376, %swap3A_377], %swap3A_380 {strides = array<i32>} : memref<128x128xf32, #tpu.memory_space<vmem>>, vector<1x16xf32>,
        %add3A_381 = arith.addi %sub3A, %scan3A_268 : i32
        %swap3A_382 = arith.index_cast %add3A_381 : i32 to index
        %swap3A_383 = arith.constant 48 : index
        %swap3A_384 = tpu.vector_load %arg19[%swap3A_382, %swap3A_383] {strides = array<i32>} : memref<128x128xf32, #tpu.memory_space<vmem>>, vector<1x16xf32>,
        %swap3A_385 = vector.shape_cast %swap3A_384 : vector<1x16xf32> to vector<16xf32>
        %swap3A_386 = vector.shape_cast %scan3A_362#3 : vector<16xf32> to vector<1x16xf32>
        tpu.vector_store %arg19[%swap3A_382, %swap3A_383], %swap3A_386 {strides = array<i32>} : memref<128x128xf32, #tpu.memory_space<vmem>>, vector<1x16xf32>,
        %add3A_387 = arith.addi %sub3A, %scan3A_268 : i32
        %swap3A_388 = arith.index_cast %add3A_387 : i32 to index
        %swap3A_389 = arith.constant 64 : index
        %swap3A_390 = tpu.vector_load %arg19[%swap3A_388, %swap3A_389] {strides = array<i32>} : memref<128x128xf32, #tpu.memory_space<vmem>>, vector<1x16xf32>,
        %swap3A_391 = vector.shape_cast %swap3A_390 : vector<1x16xf32> to vector<16xf32>
        %swap3A_392 = vector.shape_cast %scan3A_362#4 : vector<16xf32> to vector<1x16xf32>
        tpu.vector_store %arg19[%swap3A_388, %swap3A_389], %swap3A_392 {strides = array<i32>} : memref<128x128xf32, #tpu.memory_space<vmem>>, vector<1x16xf32>,
        %add3A_393 = arith.addi %sub3A, %scan3A_268 : i32
        %swap3A_394 = arith.index_cast %add3A_393 : i32 to index
        %swap3A_395 = arith.constant 80 : index
        %swap3A_396 = tpu.vector_load %arg19[%swap3A_394, %swap3A_395] {strides = array<i32>} : memref<128x128xf32, #tpu.memory_space<vmem>>, vector<1x16xf32>,
        %swap3A_397 = vector.shape_cast %swap3A_396 : vector<1x16xf32> to vector<16xf32>
        %swap3A_398 = vector.shape_cast %scan3A_362#5 : vector<16xf32> to vector<1x16xf32>
        tpu.vector_store %arg19[%swap3A_394, %swap3A_395], %swap3A_398 {strides = array<i32>} : memref<128x128xf32, #tpu.memory_space<vmem>>, vector<1x16xf32>,
        %add3A_399 = arith.addi %sub3A, %scan3A_268 : i32
        %swap3A_400 = arith.index_cast %add3A_399 : i32 to index
        %swap3A_401 = arith.constant 96 : index
        %swap3A_402 = tpu.vector_load %arg19[%swap3A_400, %swap3A_401] {strides = array<i32>} : memref<128x128xf32, #tpu.memory_space<vmem>>, vector<1x16xf32>,
        %swap3A_403 = vector.shape_cast %swap3A_402 : vector<1x16xf32> to vector<16xf32>
        %swap3A_404 = vector.shape_cast %scan3A_362#6 : vector<16xf32> to vector<1x16xf32>
        tpu.vector_store %arg19[%swap3A_400, %swap3A_401], %swap3A_404 {strides = array<i32>} : memref<128x128xf32, #tpu.memory_space<vmem>>, vector<1x16xf32>,
        %add3A_405 = arith.addi %sub3A, %scan3A_268 : i32
        %swap3A_406 = arith.index_cast %add3A_405 : i32 to index
        %swap3A_407 = arith.constant 112 : index
        %swap3A_408 = tpu.vector_load %arg19[%swap3A_406, %swap3A_407] {strides = array<i32>} : memref<128x128xf32, #tpu.memory_space<vmem>>, vector<1x16xf32>,
        %swap3A_409 = vector.shape_cast %swap3A_408 : vector<1x16xf32> to vector<16xf32>
        %swap3A_410 = vector.shape_cast %scan3A_362#7 : vector<16xf32> to vector<1x16xf32>
        tpu.vector_store %arg19[%swap3A_406, %swap3A_407], %swap3A_410 {strides = array<i32>} : memref<128x128xf32, #tpu.memory_space<vmem>>, vector<1x16xf32>,
      }
      %scan3A_123 = arith.constant 4 : i32
      %add3A_124 = arith.constant 4 : i32
      %add3A_125 = arith.addi %add3A_108, %add3A_124 : i32
      %lt3A = arith.constant 32 : i32
      %lt3A_126 = arith.cmpi slt, %add3A_125, %lt3A : i32
      %convert_element_type3A = arith.extui %lt3A_126 : i1 to i32
      %cond3A = arith.constant 0 : i32
      %cond3A_127 = arith.cmpi ne, %convert_element_type3A, %cond3A : i32
      scf.if %cond3A_127 {
        %mul3A_268 = arith.constant 80 : i32
        %mul3A_269 = arith.muli %add3A_125, %mul3A_268 : i32
        %dma_start3A_270 = tpu.memref_slice %arg13[%mul3A_269] : memref<2560xi32, #tpu.memory_space<vmem>> -> memref<80xi32, #tpu.memory_space<vmem>>
        %dma_start3A_271 = arith.constant 0 : i32
        %dma_start3A_272 = arith.constant 0 : i32
        %dma_start3A_273 = tpu.memref_slice %arg6[%dma_start3A_271, %dma_start3A_272] : memref<100000x128xf32, #tpu.memory_space<hbm>> -> memref<100000x128xf32, #tpu.memory_space<hbm>>
        tpu.enqueue_indirect_dma source(%dma_start3A_273 : memref<100000x128xf32, #tpu.memory_space<hbm>>) target(%arg15 : memref<80x128xf32, #tpu.memory_space<vmem>>) offsets(%dma_start3A_270 : memref<80xi32, #tpu.memory_space<vmem>>) semaphore(%arg21 : memref<!tpu.dma_semaphore, #tpu.memory_space<semaphore_mem>>)
      } else {
      }
      %ge3A_128 = arith.constant 32 : i32
      %ge3A_129 = arith.cmpi sge, %add3A_125, %ge3A_128 : i32
      %lt3A_130 = arith.constant 64 : i32
      %lt3A_131 = arith.cmpi slt, %add3A_125, %lt3A_130 : i32
      %and3A = arith.andi %ge3A_129, %lt3A_131 : i1
      %convert_element_type3A_132 = arith.extui %and3A : i1 to i32
      %cond3A_133 = arith.constant 0 : i32
      %cond3A_134 = arith.cmpi ne, %convert_element_type3A_132, %cond3A_133 : i32
      scf.if %cond3A_134 {
        %sub3A_268 = arith.constant 32 : i32
        %sub3A_269 = arith.subi %add3A_125, %sub3A_268 : i32
        %mul3A_270 = arith.constant 80 : i32
        %mul3A_271 = arith.muli %sub3A_269, %mul3A_270 : i32
        %dma_start3A_272 = tpu.memref_slice %arg14[%mul3A_271] : memref<2560xi32, #tpu.memory_space<vmem>> -> memref<80xi32, #tpu.memory_space<vmem>>
        %dma_start3A_273 = arith.constant 0 : i32
        %dma_start3A_274 = arith.constant 0 : i32
        %dma_start3A_275 = tpu.memref_slice %arg5[%dma_start3A_273, %dma_start3A_274] : memref<100000x128xf32, #tpu.memory_space<hbm>> -> memref<100000x128xf32, #tpu.memory_space<hbm>>
        tpu.enqueue_indirect_dma source(%dma_start3A_275 : memref<100000x128xf32, #tpu.memory_space<hbm>>) target(%arg15 : memref<80x128xf32, #tpu.memory_space<vmem>>) offsets(%dma_start3A_272 : memref<80xi32, #tpu.memory_space<vmem>>) semaphore(%arg21 : memref<!tpu.dma_semaphore, #tpu.memory_space<semaphore_mem>>)
      } else {
      }
      %eq3A = arith.constant 31 : i32
      %eq3A_135 = arith.cmpi eq, %add3A_108, %eq3A : i32
      %convert_element_type3A_136 = arith.extui %eq3A_135 : i1 to i32
      %cond3A_137 = arith.constant 0 : i32
      %cond3A_138 = arith.cmpi ne, %convert_element_type3A_136, %cond3A_137 : i32
      scf.if %cond3A_138 {
        "tpu.region"() ({
          %run_scoped3A = tpu.sem_alloc : memref<!tpu.dma_semaphore, #tpu.memory_space<semaphore_mem>>
          %dma_start3A_268 = arith.constant 0 : i32
          %dma_start3A_269 = tpu.memref_slice %arg9[%mul3A_2, %dma_start3A_268] : memref<4096x128xf32, #tpu.memory_space<hbm>> -> memref<128x128xf32, #tpu.memory_space<hbm>>
          %dma_start3A_270 = arith.constant 0 : i32
          %dma_start3A_271 = tpu.memref_slice %arg9[%mul3A_2, %dma_start3A_270] : memref<4096x128xf32, #tpu.memory_space<hbm>> -> memref<128x128xf32, #tpu.memory_space<hbm>>
          tpu.enqueue_dma source(%arg19 : memref<128x128xf32, #tpu.memory_space<vmem>>) target(%dma_start3A_271 : memref<128x128xf32, #tpu.memory_space<hbm>>) target_semaphore(%run_scoped3A : memref<!tpu.dma_semaphore, #tpu.memory_space<semaphore_mem>>)
          %dma_wait3A_272 = arith.constant 0 : i32
          %dma_wait3A_273 = tpu.memref_slice %arg9[%mul3A_2, %dma_wait3A_272] : memref<4096x128xf32, #tpu.memory_space<hbm>> -> memref<128x128xf32, #tpu.memory_space<hbm>>
          %dma_wait3A_274 = arith.constant 0 : i32
          %dma_wait3A_275 = tpu.memref_slice %arg9[%mul3A_2, %dma_wait3A_274] : memref<4096x128xf32, #tpu.memory_space<hbm>> -> memref<128x128xf32, #tpu.memory_space<hbm>>
          tpu.wait_dma2 semaphore(%run_scoped3A : memref<!tpu.dma_semaphore, #tpu.memory_space<semaphore_mem>>) src(%arg19 : memref<128x128xf32, #tpu.memory_space<vmem>>) dst(%dma_wait3A_275 : memref<128x128xf32, #tpu.memory_space<hbm>>)
          tpu.yield
        }) : () -> ()
      } else {
      }
      %mul3A_139 = arith.constant 4 : i32
      %mul3A_140 = arith.muli %mul3A_139, %scan3A_104 : i32
      %add3A_141 = arith.constant 1 : i32
      %add3A_142 = arith.addi %mul3A_140, %add3A_141 : i32
      %dma_wait3A_143 = arith.constant 0 : i32
      %dma_wait3A_144 = tpu.memref_slice %arg13[%dma_wait3A_143] : memref<2560xi32, #tpu.memory_space<vmem>> -> memref<80xi32, #tpu.memory_space<vmem>>
      %dma_wait3A_145 = arith.constant 0 : i32
      %dma_wait3A_146 = arith.constant 0 : i32
      %dma_wait3A_147 = tpu.memref_slice %arg6[%dma_wait3A_145, %dma_wait3A_146] : memref<100000x128xf32, #tpu.memory_space<hbm>> -> memref<100000x128xf32, #tpu.memory_space<hbm>>
      tpu.wait_indirect_dma semaphore(%arg22 : memref<!tpu.dma_semaphore, #tpu.memory_space<semaphore_mem>>) src(%dma_wait3A_147 : memref<100000x128xf32, #tpu.memory_space<hbm>>) dst(%arg16 : memref<80x128xf32, #tpu.memory_space<vmem>>)
      %mul3A_148 = arith.constant 4 : i32
      %mul3A_149 = arith.muli %mul3A_148, %add3A_142 : i32
      %ge3A_150 = arith.constant 32 : i32
      %ge3A_151 = arith.cmpi sge, %add3A_142, %ge3A_150 : i32
      %jit3A_152 = arith.constant 128 : i32
      %jit3A_153 = arith.constant 0 : i32
      %select_n3A_154 = arith.select %ge3A_151, %jit3A_152, %jit3A_153 : i32
      %sub3A_155 = arith.subi %mul3A_149, %select_n3A_154 : i32
      %scan3A_156 = arith.constant 0 : i32
      %scan3A_157 = arith.constant 0 : i32
      %scan3A_158 = arith.constant 4 : i32
      %scan3A_159 = arith.addi %scan3A_157, %scan3A_158 : i32
      %scan3A_160 = arith.constant 1 : i32
      scf.for %scan3A_268 = %scan3A_157 to %scan3A_159 step %scan3A_160  : i32 {
        %mul3A_269 = arith.constant 20 : i32
        %mul3A_270 = arith.muli %mul3A_269, %scan3A_268 : i32
        %get3A = arith.index_cast %mul3A_270 : i32 to index
        %get3A_271 = arith.constant 0 : index
        %get3A_272 = tpu.vector_load %arg16[%get3A, %get3A_271] {strides = array<i32>} : memref<80x128xf32, #tpu.memory_space<vmem>>, vector<1x16xf32>,
        %get3A_273 = vector.shape_cast %get3A_272 : vector<1x16xf32> to vector<16xf32>
        %add3A_274 = arith.constant 1 : i32
        %add3A_275 = arith.addi %mul3A_270, %add3A_274 : i32
        %get3A_276 = arith.index_cast %add3A_275 : i32 to index
        %get3A_277 = arith.constant 0 : index
        %get3A_278 = tpu.vector_load %arg16[%get3A_276, %get3A_277] {strides = array<i32>} : memref<80x128xf32, #tpu.memory_space<vmem>>, vector<1x16xf32>,
        %get3A_279 = vector.shape_cast %get3A_278 : vector<1x16xf32> to vector<16xf32>
        %add3A_280 = arith.addf %get3A_273, %get3A_279 : vector<16xf32>
        %get3A_281 = arith.index_cast %mul3A_270 : i32 to index
        %get3A_282 = arith.constant 16 : index
        %get3A_283 = tpu.vector_load %arg16[%get3A_281, %get3A_282] {strides = array<i32>} : memref<80x128xf32, #tpu.memory_space<vmem>>, vector<1x16xf32>,
        %get3A_284 = vector.shape_cast %get3A_283 : vector<1x16xf32> to vector<16xf32>
        %add3A_285 = arith.constant 1 : i32
        %add3A_286 = arith.addi %mul3A_270, %add3A_285 : i32
        %get3A_287 = arith.index_cast %add3A_286 : i32 to index
        %get3A_288 = arith.constant 16 : index
        %get3A_289 = tpu.vector_load %arg16[%get3A_287, %get3A_288] {strides = array<i32>} : memref<80x128xf32, #tpu.memory_space<vmem>>, vector<1x16xf32>,
        %get3A_290 = vector.shape_cast %get3A_289 : vector<1x16xf32> to vector<16xf32>
        %add3A_291 = arith.addf %get3A_284, %get3A_290 : vector<16xf32>
        %get3A_292 = arith.index_cast %mul3A_270 : i32 to index
        %get3A_293 = arith.constant 32 : index
        %get3A_294 = tpu.vector_load %arg16[%get3A_292, %get3A_293] {strides = array<i32>} : memref<80x128xf32, #tpu.memory_space<vmem>>, vector<1x16xf32>,
        %get3A_295 = vector.shape_cast %get3A_294 : vector<1x16xf32> to vector<16xf32>
        %add3A_296 = arith.constant 1 : i32
        %add3A_297 = arith.addi %mul3A_270, %add3A_296 : i32
        %get3A_298 = arith.index_cast %add3A_297 : i32 to index
        %get3A_299 = arith.constant 32 : index
        %get3A_300 = tpu.vector_load %arg16[%get3A_298, %get3A_299] {strides = array<i32>} : memref<80x128xf32, #tpu.memory_space<vmem>>, vector<1x16xf32>,
        %get3A_301 = vector.shape_cast %get3A_300 : vector<1x16xf32> to vector<16xf32>
        %add3A_302 = arith.addf %get3A_295, %get3A_301 : vector<16xf32>
        %get3A_303 = arith.index_cast %mul3A_270 : i32 to index
        %get3A_304 = arith.constant 48 : index
        %get3A_305 = tpu.vector_load %arg16[%get3A_303, %get3A_304] {strides = array<i32>} : memref<80x128xf32, #tpu.memory_space<vmem>>, vector<1x16xf32>,
        %get3A_306 = vector.shape_cast %get3A_305 : vector<1x16xf32> to vector<16xf32>
        %add3A_307 = arith.constant 1 : i32
        %add3A_308 = arith.addi %mul3A_270, %add3A_307 : i32
        %get3A_309 = arith.index_cast %add3A_308 : i32 to index
        %get3A_310 = arith.constant 48 : index
        %get3A_311 = tpu.vector_load %arg16[%get3A_309, %get3A_310] {strides = array<i32>} : memref<80x128xf32, #tpu.memory_space<vmem>>, vector<1x16xf32>,
        %get3A_312 = vector.shape_cast %get3A_311 : vector<1x16xf32> to vector<16xf32>
        %add3A_313 = arith.addf %get3A_306, %get3A_312 : vector<16xf32>
        %get3A_314 = arith.index_cast %mul3A_270 : i32 to index
        %get3A_315 = arith.constant 64 : index
        %get3A_316 = tpu.vector_load %arg16[%get3A_314, %get3A_315] {strides = array<i32>} : memref<80x128xf32, #tpu.memory_space<vmem>>, vector<1x16xf32>,
        %get3A_317 = vector.shape_cast %get3A_316 : vector<1x16xf32> to vector<16xf32>
        %add3A_318 = arith.constant 1 : i32
        %add3A_319 = arith.addi %mul3A_270, %add3A_318 : i32
        %get3A_320 = arith.index_cast %add3A_319 : i32 to index
        %get3A_321 = arith.constant 64 : index
        %get3A_322 = tpu.vector_load %arg16[%get3A_320, %get3A_321] {strides = array<i32>} : memref<80x128xf32, #tpu.memory_space<vmem>>, vector<1x16xf32>,
        %get3A_323 = vector.shape_cast %get3A_322 : vector<1x16xf32> to vector<16xf32>
        %add3A_324 = arith.addf %get3A_317, %get3A_323 : vector<16xf32>
        %get3A_325 = arith.index_cast %mul3A_270 : i32 to index
        %get3A_326 = arith.constant 80 : index
        %get3A_327 = tpu.vector_load %arg16[%get3A_325, %get3A_326] {strides = array<i32>} : memref<80x128xf32, #tpu.memory_space<vmem>>, vector<1x16xf32>,
        %get3A_328 = vector.shape_cast %get3A_327 : vector<1x16xf32> to vector<16xf32>
        %add3A_329 = arith.constant 1 : i32
        %add3A_330 = arith.addi %mul3A_270, %add3A_329 : i32
        %get3A_331 = arith.index_cast %add3A_330 : i32 to index
        %get3A_332 = arith.constant 80 : index
        %get3A_333 = tpu.vector_load %arg16[%get3A_331, %get3A_332] {strides = array<i32>} : memref<80x128xf32, #tpu.memory_space<vmem>>, vector<1x16xf32>,
        %get3A_334 = vector.shape_cast %get3A_333 : vector<1x16xf32> to vector<16xf32>
        %add3A_335 = arith.addf %get3A_328, %get3A_334 : vector<16xf32>
        %get3A_336 = arith.index_cast %mul3A_270 : i32 to index
        %get3A_337 = arith.constant 96 : index
        %get3A_338 = tpu.vector_load %arg16[%get3A_336, %get3A_337] {strides = array<i32>} : memref<80x128xf32, #tpu.memory_space<vmem>>, vector<1x16xf32>,
        %get3A_339 = vector.shape_cast %get3A_338 : vector<1x16xf32> to vector<16xf32>
        %add3A_340 = arith.constant 1 : i32
        %add3A_341 = arith.addi %mul3A_270, %add3A_340 : i32
        %get3A_342 = arith.index_cast %add3A_341 : i32 to index
        %get3A_343 = arith.constant 96 : index
        %get3A_344 = tpu.vector_load %arg16[%get3A_342, %get3A_343] {strides = array<i32>} : memref<80x128xf32, #tpu.memory_space<vmem>>, vector<1x16xf32>,
        %get3A_345 = vector.shape_cast %get3A_344 : vector<1x16xf32> to vector<16xf32>
        %add3A_346 = arith.addf %get3A_339, %get3A_345 : vector<16xf32>
        %get3A_347 = arith.index_cast %mul3A_270 : i32 to index
        %get3A_348 = arith.constant 112 : index
        %get3A_349 = tpu.vector_load %arg16[%get3A_347, %get3A_348] {strides = array<i32>} : memref<80x128xf32, #tpu.memory_space<vmem>>, vector<1x16xf32>,
        %get3A_350 = vector.shape_cast %get3A_349 : vector<1x16xf32> to vector<16xf32>
        %add3A_351 = arith.constant 1 : i32
        %add3A_352 = arith.addi %mul3A_270, %add3A_351 : i32
        %get3A_353 = arith.index_cast %add3A_352 : i32 to index
        %get3A_354 = arith.constant 112 : index
        %get3A_355 = tpu.vector_load %arg16[%get3A_353, %get3A_354] {strides = array<i32>} : memref<80x128xf32, #tpu.memory_space<vmem>>, vector<1x16xf32>,
        %get3A_356 = vector.shape_cast %get3A_355 : vector<1x16xf32> to vector<16xf32>
        %add3A_357 = arith.addf %get3A_350, %get3A_356 : vector<16xf32>
        %scan3A_358 = arith.constant 1 : i32
        %scan3A_359 = arith.constant 9 : i32
        %scan3A_360 = arith.addi %scan3A_358, %scan3A_359 : i32
        %scan3A_361 = arith.constant 1 : i32
        %scan3A_362:8 = scf.for %scan3A_411 = %scan3A_358 to %scan3A_360 step %scan3A_361 iter_args(%scan3A_412 = %add3A_280, %scan3A_413 = %add3A_291, %scan3A_414 = %add3A_302, %scan3A_415 = %add3A_313, %scan3A_416 = %add3A_324, %scan3A_417 = %add3A_335, %scan3A_418 = %add3A_346, %scan3A_419 = %add3A_357) -> (vector<16xf32>, vector<16xf32>, vector<16xf32>, vector<16xf32>, vector<16xf32>, vector<16xf32>, vector<16xf32>, vector<16xf32>)  : i32 {
          %mul3A_420 = arith.constant 2 : i32
          %mul3A_421 = arith.muli %mul3A_420, %scan3A_411 : i32
          %add3A_422 = arith.addi %mul3A_270, %mul3A_421 : i32
          %get3A_423 = arith.index_cast %add3A_422 : i32 to index
          %get3A_424 = arith.constant 0 : index
          %get3A_425 = tpu.vector_load %arg16[%get3A_423, %get3A_424] {strides = array<i32>} : memref<80x128xf32, #tpu.memory_space<vmem>>, vector<1x16xf32>,
          %get3A_426 = vector.shape_cast %get3A_425 : vector<1x16xf32> to vector<16xf32>
          %add3A_427 = arith.addf %scan3A_412, %get3A_426 : vector<16xf32>
          %add3A_428 = arith.constant 1 : i32
          %add3A_429 = arith.addi %add3A_422, %add3A_428 : i32
          %get3A_430 = arith.index_cast %add3A_429 : i32 to index
          %get3A_431 = arith.constant 0 : index
          %get3A_432 = tpu.vector_load %arg16[%get3A_430, %get3A_431] {strides = array<i32>} : memref<80x128xf32, #tpu.memory_space<vmem>>, vector<1x16xf32>,
          %get3A_433 = vector.shape_cast %get3A_432 : vector<1x16xf32> to vector<16xf32>
          %add3A_434 = arith.addf %add3A_427, %get3A_433 : vector<16xf32>
          %get3A_435 = arith.index_cast %add3A_422 : i32 to index
          %get3A_436 = arith.constant 16 : index
          %get3A_437 = tpu.vector_load %arg16[%get3A_435, %get3A_436] {strides = array<i32>} : memref<80x128xf32, #tpu.memory_space<vmem>>, vector<1x16xf32>,
          %get3A_438 = vector.shape_cast %get3A_437 : vector<1x16xf32> to vector<16xf32>
          %add3A_439 = arith.addf %scan3A_413, %get3A_438 : vector<16xf32>
          %add3A_440 = arith.constant 1 : i32
          %add3A_441 = arith.addi %add3A_422, %add3A_440 : i32
          %get3A_442 = arith.index_cast %add3A_441 : i32 to index
          %get3A_443 = arith.constant 16 : index
          %get3A_444 = tpu.vector_load %arg16[%get3A_442, %get3A_443] {strides = array<i32>} : memref<80x128xf32, #tpu.memory_space<vmem>>, vector<1x16xf32>,
          %get3A_445 = vector.shape_cast %get3A_444 : vector<1x16xf32> to vector<16xf32>
          %add3A_446 = arith.addf %add3A_439, %get3A_445 : vector<16xf32>
          %get3A_447 = arith.index_cast %add3A_422 : i32 to index
          %get3A_448 = arith.constant 32 : index
          %get3A_449 = tpu.vector_load %arg16[%get3A_447, %get3A_448] {strides = array<i32>} : memref<80x128xf32, #tpu.memory_space<vmem>>, vector<1x16xf32>,
          %get3A_450 = vector.shape_cast %get3A_449 : vector<1x16xf32> to vector<16xf32>
          %add3A_451 = arith.addf %scan3A_414, %get3A_450 : vector<16xf32>
          %add3A_452 = arith.constant 1 : i32
          %add3A_453 = arith.addi %add3A_422, %add3A_452 : i32
          %get3A_454 = arith.index_cast %add3A_453 : i32 to index
          %get3A_455 = arith.constant 32 : index
          %get3A_456 = tpu.vector_load %arg16[%get3A_454, %get3A_455] {strides = array<i32>} : memref<80x128xf32, #tpu.memory_space<vmem>>, vector<1x16xf32>,
          %get3A_457 = vector.shape_cast %get3A_456 : vector<1x16xf32> to vector<16xf32>
          %add3A_458 = arith.addf %add3A_451, %get3A_457 : vector<16xf32>
          %get3A_459 = arith.index_cast %add3A_422 : i32 to index
          %get3A_460 = arith.constant 48 : index
          %get3A_461 = tpu.vector_load %arg16[%get3A_459, %get3A_460] {strides = array<i32>} : memref<80x128xf32, #tpu.memory_space<vmem>>, vector<1x16xf32>,
          %get3A_462 = vector.shape_cast %get3A_461 : vector<1x16xf32> to vector<16xf32>
          %add3A_463 = arith.addf %scan3A_415, %get3A_462 : vector<16xf32>
          %add3A_464 = arith.constant 1 : i32
          %add3A_465 = arith.addi %add3A_422, %add3A_464 : i32
          %get3A_466 = arith.index_cast %add3A_465 : i32 to index
          %get3A_467 = arith.constant 48 : index
          %get3A_468 = tpu.vector_load %arg16[%get3A_466, %get3A_467] {strides = array<i32>} : memref<80x128xf32, #tpu.memory_space<vmem>>, vector<1x16xf32>,
          %get3A_469 = vector.shape_cast %get3A_468 : vector<1x16xf32> to vector<16xf32>
          %add3A_470 = arith.addf %add3A_463, %get3A_469 : vector<16xf32>
          %get3A_471 = arith.index_cast %add3A_422 : i32 to index
          %get3A_472 = arith.constant 64 : index
          %get3A_473 = tpu.vector_load %arg16[%get3A_471, %get3A_472] {strides = array<i32>} : memref<80x128xf32, #tpu.memory_space<vmem>>, vector<1x16xf32>,
          %get3A_474 = vector.shape_cast %get3A_473 : vector<1x16xf32> to vector<16xf32>
          %add3A_475 = arith.addf %scan3A_416, %get3A_474 : vector<16xf32>
          %add3A_476 = arith.constant 1 : i32
          %add3A_477 = arith.addi %add3A_422, %add3A_476 : i32
          %get3A_478 = arith.index_cast %add3A_477 : i32 to index
          %get3A_479 = arith.constant 64 : index
          %get3A_480 = tpu.vector_load %arg16[%get3A_478, %get3A_479] {strides = array<i32>} : memref<80x128xf32, #tpu.memory_space<vmem>>, vector<1x16xf32>,
          %get3A_481 = vector.shape_cast %get3A_480 : vector<1x16xf32> to vector<16xf32>
          %add3A_482 = arith.addf %add3A_475, %get3A_481 : vector<16xf32>
          %get3A_483 = arith.index_cast %add3A_422 : i32 to index
          %get3A_484 = arith.constant 80 : index
          %get3A_485 = tpu.vector_load %arg16[%get3A_483, %get3A_484] {strides = array<i32>} : memref<80x128xf32, #tpu.memory_space<vmem>>, vector<1x16xf32>,
          %get3A_486 = vector.shape_cast %get3A_485 : vector<1x16xf32> to vector<16xf32>
          %add3A_487 = arith.addf %scan3A_417, %get3A_486 : vector<16xf32>
          %add3A_488 = arith.constant 1 : i32
          %add3A_489 = arith.addi %add3A_422, %add3A_488 : i32
          %get3A_490 = arith.index_cast %add3A_489 : i32 to index
          %get3A_491 = arith.constant 80 : index
          %get3A_492 = tpu.vector_load %arg16[%get3A_490, %get3A_491] {strides = array<i32>} : memref<80x128xf32, #tpu.memory_space<vmem>>, vector<1x16xf32>,
          %get3A_493 = vector.shape_cast %get3A_492 : vector<1x16xf32> to vector<16xf32>
          %add3A_494 = arith.addf %add3A_487, %get3A_493 : vector<16xf32>
          %get3A_495 = arith.index_cast %add3A_422 : i32 to index
          %get3A_496 = arith.constant 96 : index
          %get3A_497 = tpu.vector_load %arg16[%get3A_495, %get3A_496] {strides = array<i32>} : memref<80x128xf32, #tpu.memory_space<vmem>>, vector<1x16xf32>,
          %get3A_498 = vector.shape_cast %get3A_497 : vector<1x16xf32> to vector<16xf32>
          %add3A_499 = arith.addf %scan3A_418, %get3A_498 : vector<16xf32>
          %add3A_500 = arith.constant 1 : i32
          %add3A_501 = arith.addi %add3A_422, %add3A_500 : i32
          %get3A_502 = arith.index_cast %add3A_501 : i32 to index
          %get3A_503 = arith.constant 96 : index
          %get3A_504 = tpu.vector_load %arg16[%get3A_502, %get3A_503] {strides = array<i32>} : memref<80x128xf32, #tpu.memory_space<vmem>>, vector<1x16xf32>,
          %get3A_505 = vector.shape_cast %get3A_504 : vector<1x16xf32> to vector<16xf32>
          %add3A_506 = arith.addf %add3A_499, %get3A_505 : vector<16xf32>
          %get3A_507 = arith.index_cast %add3A_422 : i32 to index
          %get3A_508 = arith.constant 112 : index
          %get3A_509 = tpu.vector_load %arg16[%get3A_507, %get3A_508] {strides = array<i32>} : memref<80x128xf32, #tpu.memory_space<vmem>>, vector<1x16xf32>,
          %get3A_510 = vector.shape_cast %get3A_509 : vector<1x16xf32> to vector<16xf32>
          %add3A_511 = arith.addf %scan3A_419, %get3A_510 : vector<16xf32>
          %add3A_512 = arith.constant 1 : i32
          %add3A_513 = arith.addi %add3A_422, %add3A_512 : i32
          %get3A_514 = arith.index_cast %add3A_513 : i32 to index
          %get3A_515 = arith.constant 112 : index
          %get3A_516 = tpu.vector_load %arg16[%get3A_514, %get3A_515] {strides = array<i32>} : memref<80x128xf32, #tpu.memory_space<vmem>>, vector<1x16xf32>,
          %get3A_517 = vector.shape_cast %get3A_516 : vector<1x16xf32> to vector<16xf32>
          %add3A_518 = arith.addf %add3A_511, %get3A_517 : vector<16xf32>
          scf.yield %add3A_434, %add3A_446, %add3A_458, %add3A_470, %add3A_482, %add3A_494, %add3A_506, %add3A_518 : vector<16xf32>, vector<16xf32>, vector<16xf32>, vector<16xf32>, vector<16xf32>, vector<16xf32>, vector<16xf32>, vector<16xf32>
        }
        %scan3A_363 = arith.constant 9 : i32
        %add3A_364 = arith.addi %sub3A_155, %scan3A_268 : i32
        %swap3A = arith.index_cast %add3A_364 : i32 to index
        %swap3A_365 = arith.constant 0 : index
        %swap3A_366 = tpu.vector_load %arg19[%swap3A, %swap3A_365] {strides = array<i32>} : memref<128x128xf32, #tpu.memory_space<vmem>>, vector<1x16xf32>,
        %swap3A_367 = vector.shape_cast %swap3A_366 : vector<1x16xf32> to vector<16xf32>
        %swap3A_368 = vector.shape_cast %scan3A_362#0 : vector<16xf32> to vector<1x16xf32>
        tpu.vector_store %arg19[%swap3A, %swap3A_365], %swap3A_368 {strides = array<i32>} : memref<128x128xf32, #tpu.memory_space<vmem>>, vector<1x16xf32>,
        %add3A_369 = arith.addi %sub3A_155, %scan3A_268 : i32
        %swap3A_370 = arith.index_cast %add3A_369 : i32 to index
        %swap3A_371 = arith.constant 16 : index
        %swap3A_372 = tpu.vector_load %arg19[%swap3A_370, %swap3A_371] {strides = array<i32>} : memref<128x128xf32, #tpu.memory_space<vmem>>, vector<1x16xf32>,
        %swap3A_373 = vector.shape_cast %swap3A_372 : vector<1x16xf32> to vector<16xf32>
        %swap3A_374 = vector.shape_cast %scan3A_362#1 : vector<16xf32> to vector<1x16xf32>
        tpu.vector_store %arg19[%swap3A_370, %swap3A_371], %swap3A_374 {strides = array<i32>} : memref<128x128xf32, #tpu.memory_space<vmem>>, vector<1x16xf32>,
        %add3A_375 = arith.addi %sub3A_155, %scan3A_268 : i32
        %swap3A_376 = arith.index_cast %add3A_375 : i32 to index
        %swap3A_377 = arith.constant 32 : index
        %swap3A_378 = tpu.vector_load %arg19[%swap3A_376, %swap3A_377] {strides = array<i32>} : memref<128x128xf32, #tpu.memory_space<vmem>>, vector<1x16xf32>,
        %swap3A_379 = vector.shape_cast %swap3A_378 : vector<1x16xf32> to vector<16xf32>
        %swap3A_380 = vector.shape_cast %scan3A_362#2 : vector<16xf32> to vector<1x16xf32>
        tpu.vector_store %arg19[%swap3A_376, %swap3A_377], %swap3A_380 {strides = array<i32>} : memref<128x128xf32, #tpu.memory_space<vmem>>, vector<1x16xf32>,
        %add3A_381 = arith.addi %sub3A_155, %scan3A_268 : i32
        %swap3A_382 = arith.index_cast %add3A_381 : i32 to index
        %swap3A_383 = arith.constant 48 : index
        %swap3A_384 = tpu.vector_load %arg19[%swap3A_382, %swap3A_383] {strides = array<i32>} : memref<128x128xf32, #tpu.memory_space<vmem>>, vector<1x16xf32>,
        %swap3A_385 = vector.shape_cast %swap3A_384 : vector<1x16xf32> to vector<16xf32>
        %swap3A_386 = vector.shape_cast %scan3A_362#3 : vector<16xf32> to vector<1x16xf32>
        tpu.vector_store %arg19[%swap3A_382, %swap3A_383], %swap3A_386 {strides = array<i32>} : memref<128x128xf32, #tpu.memory_space<vmem>>, vector<1x16xf32>,
        %add3A_387 = arith.addi %sub3A_155, %scan3A_268 : i32
        %swap3A_388 = arith.index_cast %add3A_387 : i32 to index
        %swap3A_389 = arith.constant 64 : index
        %swap3A_390 = tpu.vector_load %arg19[%swap3A_388, %swap3A_389] {strides = array<i32>} : memref<128x128xf32, #tpu.memory_space<vmem>>, vector<1x16xf32>,
        %swap3A_391 = vector.shape_cast %swap3A_390 : vector<1x16xf32> to vector<16xf32>
        %swap3A_392 = vector.shape_cast %scan3A_362#4 : vector<16xf32> to vector<1x16xf32>
        tpu.vector_store %arg19[%swap3A_388, %swap3A_389], %swap3A_392 {strides = array<i32>} : memref<128x128xf32, #tpu.memory_space<vmem>>, vector<1x16xf32>,
        %add3A_393 = arith.addi %sub3A_155, %scan3A_268 : i32
        %swap3A_394 = arith.index_cast %add3A_393 : i32 to index
        %swap3A_395 = arith.constant 80 : index
        %swap3A_396 = tpu.vector_load %arg19[%swap3A_394, %swap3A_395] {strides = array<i32>} : memref<128x128xf32, #tpu.memory_space<vmem>>, vector<1x16xf32>,
        %swap3A_397 = vector.shape_cast %swap3A_396 : vector<1x16xf32> to vector<16xf32>
        %swap3A_398 = vector.shape_cast %scan3A_362#5 : vector<16xf32> to vector<1x16xf32>
        tpu.vector_store %arg19[%swap3A_394, %swap3A_395], %swap3A_398 {strides = array<i32>} : memref<128x128xf32, #tpu.memory_space<vmem>>, vector<1x16xf32>,
        %add3A_399 = arith.addi %sub3A_155, %scan3A_268 : i32
        %swap3A_400 = arith.index_cast %add3A_399 : i32 to index
        %swap3A_401 = arith.constant 96 : index
        %swap3A_402 = tpu.vector_load %arg19[%swap3A_400, %swap3A_401] {strides = array<i32>} : memref<128x128xf32, #tpu.memory_space<vmem>>, vector<1x16xf32>,
        %swap3A_403 = vector.shape_cast %swap3A_402 : vector<1x16xf32> to vector<16xf32>
        %swap3A_404 = vector.shape_cast %scan3A_362#6 : vector<16xf32> to vector<1x16xf32>
        tpu.vector_store %arg19[%swap3A_400, %swap3A_401], %swap3A_404 {strides = array<i32>} : memref<128x128xf32, #tpu.memory_space<vmem>>, vector<1x16xf32>,
        %add3A_405 = arith.addi %sub3A_155, %scan3A_268 : i32
        %swap3A_406 = arith.index_cast %add3A_405 : i32 to index
        %swap3A_407 = arith.constant 112 : index
        %swap3A_408 = tpu.vector_load %arg19[%swap3A_406, %swap3A_407] {strides = array<i32>} : memref<128x128xf32, #tpu.memory_space<vmem>>, vector<1x16xf32>,
        %swap3A_409 = vector.shape_cast %swap3A_408 : vector<1x16xf32> to vector<16xf32>
        %swap3A_410 = vector.shape_cast %scan3A_362#7 : vector<16xf32> to vector<1x16xf32>
        tpu.vector_store %arg19[%swap3A_406, %swap3A_407], %swap3A_410 {strides = array<i32>} : memref<128x128xf32, #tpu.memory_space<vmem>>, vector<1x16xf32>,
      }
      %scan3A_161 = arith.constant 4 : i32
      %add3A_162 = arith.constant 4 : i32
      %add3A_163 = arith.addi %add3A_142, %add3A_162 : i32
      %lt3A_164 = arith.constant 32 : i32
      %lt3A_165 = arith.cmpi slt, %add3A_163, %lt3A_164 : i32
      %convert_element_type3A_166 = arith.extui %lt3A_165 : i1 to i32
      %cond3A_167 = arith.constant 0 : i32
      %cond3A_168 = arith.cmpi ne, %convert_element_type3A_166, %cond3A_167 : i32
      scf.if %cond3A_168 {
        %mul3A_268 = arith.constant 80 : i32
        %mul3A_269 = arith.muli %add3A_163, %mul3A_268 : i32
        %dma_start3A_270 = tpu.memref_slice %arg13[%mul3A_269] : memref<2560xi32, #tpu.memory_space<vmem>> -> memref<80xi32, #tpu.memory_space<vmem>>
        %dma_start3A_271 = arith.constant 0 : i32
        %dma_start3A_272 = arith.constant 0 : i32
        %dma_start3A_273 = tpu.memref_slice %arg6[%dma_start3A_271, %dma_start3A_272] : memref<100000x128xf32, #tpu.memory_space<hbm>> -> memref<100000x128xf32, #tpu.memory_space<hbm>>
        tpu.enqueue_indirect_dma source(%dma_start3A_273 : memref<100000x128xf32, #tpu.memory_space<hbm>>) target(%arg16 : memref<80x128xf32, #tpu.memory_space<vmem>>) offsets(%dma_start3A_270 : memref<80xi32, #tpu.memory_space<vmem>>) semaphore(%arg22 : memref<!tpu.dma_semaphore, #tpu.memory_space<semaphore_mem>>)
      } else {
      }
      %ge3A_169 = arith.constant 32 : i32
      %ge3A_170 = arith.cmpi sge, %add3A_163, %ge3A_169 : i32
      %lt3A_171 = arith.constant 64 : i32
      %lt3A_172 = arith.cmpi slt, %add3A_163, %lt3A_171 : i32
      %and3A_173 = arith.andi %ge3A_170, %lt3A_172 : i1
      %convert_element_type3A_174 = arith.extui %and3A_173 : i1 to i32
      %cond3A_175 = arith.constant 0 : i32
      %cond3A_176 = arith.cmpi ne, %convert_element_type3A_174, %cond3A_175 : i32
      scf.if %cond3A_176 {
        %sub3A_268 = arith.constant 32 : i32
        %sub3A_269 = arith.subi %add3A_163, %sub3A_268 : i32
        %mul3A_270 = arith.constant 80 : i32
        %mul3A_271 = arith.muli %sub3A_269, %mul3A_270 : i32
        %dma_start3A_272 = tpu.memref_slice %arg14[%mul3A_271] : memref<2560xi32, #tpu.memory_space<vmem>> -> memref<80xi32, #tpu.memory_space<vmem>>
        %dma_start3A_273 = arith.constant 0 : i32
        %dma_start3A_274 = arith.constant 0 : i32
        %dma_start3A_275 = tpu.memref_slice %arg5[%dma_start3A_273, %dma_start3A_274] : memref<100000x128xf32, #tpu.memory_space<hbm>> -> memref<100000x128xf32, #tpu.memory_space<hbm>>
        tpu.enqueue_indirect_dma source(%dma_start3A_275 : memref<100000x128xf32, #tpu.memory_space<hbm>>) target(%arg16 : memref<80x128xf32, #tpu.memory_space<vmem>>) offsets(%dma_start3A_272 : memref<80xi32, #tpu.memory_space<vmem>>) semaphore(%arg22 : memref<!tpu.dma_semaphore, #tpu.memory_space<semaphore_mem>>)
      } else {
      }
      %eq3A_177 = arith.constant 31 : i32
      %eq3A_178 = arith.cmpi eq, %add3A_142, %eq3A_177 : i32
      %convert_element_type3A_179 = arith.extui %eq3A_178 : i1 to i32
      %cond3A_180 = arith.constant 0 : i32
      %cond3A_181 = arith.cmpi ne, %convert_element_type3A_179, %cond3A_180 : i32
      scf.if %cond3A_181 {
        "tpu.region"() ({
          %run_scoped3A = tpu.sem_alloc : memref<!tpu.dma_semaphore, #tpu.memory_space<semaphore_mem>>
          %dma_start3A_268 = arith.constant 0 : i32
          %dma_start3A_269 = tpu.memref_slice %arg9[%mul3A_2, %dma_start3A_268] : memref<4096x128xf32, #tpu.memory_space<hbm>> -> memref<128x128xf32, #tpu.memory_space<hbm>>
          %dma_start3A_270 = arith.constant 0 : i32
          %dma_start3A_271 = tpu.memref_slice %arg9[%mul3A_2, %dma_start3A_270] : memref<4096x128xf32, #tpu.memory_space<hbm>> -> memref<128x128xf32, #tpu.memory_space<hbm>>
          tpu.enqueue_dma source(%arg19 : memref<128x128xf32, #tpu.memory_space<vmem>>) target(%dma_start3A_271 : memref<128x128xf32, #tpu.memory_space<hbm>>) target_semaphore(%run_scoped3A : memref<!tpu.dma_semaphore, #tpu.memory_space<semaphore_mem>>)
          %dma_wait3A_272 = arith.constant 0 : i32
          %dma_wait3A_273 = tpu.memref_slice %arg9[%mul3A_2, %dma_wait3A_272] : memref<4096x128xf32, #tpu.memory_space<hbm>> -> memref<128x128xf32, #tpu.memory_space<hbm>>
          %dma_wait3A_274 = arith.constant 0 : i32
          %dma_wait3A_275 = tpu.memref_slice %arg9[%mul3A_2, %dma_wait3A_274] : memref<4096x128xf32, #tpu.memory_space<hbm>> -> memref<128x128xf32, #tpu.memory_space<hbm>>
          tpu.wait_dma2 semaphore(%run_scoped3A : memref<!tpu.dma_semaphore, #tpu.memory_space<semaphore_mem>>) src(%arg19 : memref<128x128xf32, #tpu.memory_space<vmem>>) dst(%dma_wait3A_275 : memref<128x128xf32, #tpu.memory_space<hbm>>)
          tpu.yield
        }) : () -> ()
      } else {
      }
      %mul3A_182 = arith.constant 4 : i32
      %mul3A_183 = arith.muli %mul3A_182, %scan3A_104 : i32
      %add3A_184 = arith.constant 2 : i32
      %add3A_185 = arith.addi %mul3A_183, %add3A_184 : i32
      %dma_wait3A_186 = arith.constant 0 : i32
      %dma_wait3A_187 = tpu.memref_slice %arg13[%dma_wait3A_186] : memref<2560xi32, #tpu.memory_space<vmem>> -> memref<80xi32, #tpu.memory_space<vmem>>
      %dma_wait3A_188 = arith.constant 0 : i32
      %dma_wait3A_189 = arith.constant 0 : i32
      %dma_wait3A_190 = tpu.memref_slice %arg6[%dma_wait3A_188, %dma_wait3A_189] : memref<100000x128xf32, #tpu.memory_space<hbm>> -> memref<100000x128xf32, #tpu.memory_space<hbm>>
      tpu.wait_indirect_dma semaphore(%arg23 : memref<!tpu.dma_semaphore, #tpu.memory_space<semaphore_mem>>) src(%dma_wait3A_190 : memref<100000x128xf32, #tpu.memory_space<hbm>>) dst(%arg17 : memref<80x128xf32, #tpu.memory_space<vmem>>)
      %mul3A_191 = arith.constant 4 : i32
      %mul3A_192 = arith.muli %mul3A_191, %add3A_185 : i32
      %ge3A_193 = arith.constant 32 : i32
      %ge3A_194 = arith.cmpi sge, %add3A_185, %ge3A_193 : i32
      %jit3A_195 = arith.constant 128 : i32
      %jit3A_196 = arith.constant 0 : i32
      %select_n3A_197 = arith.select %ge3A_194, %jit3A_195, %jit3A_196 : i32
      %sub3A_198 = arith.subi %mul3A_192, %select_n3A_197 : i32
      %scan3A_199 = arith.constant 0 : i32
      %scan3A_200 = arith.constant 0 : i32
      %scan3A_201 = arith.constant 4 : i32
      %scan3A_202 = arith.addi %scan3A_200, %scan3A_201 : i32
      %scan3A_203 = arith.constant 1 : i32
      scf.for %scan3A_268 = %scan3A_200 to %scan3A_202 step %scan3A_203  : i32 {
        %mul3A_269 = arith.constant 20 : i32
        %mul3A_270 = arith.muli %mul3A_269, %scan3A_268 : i32
        %get3A = arith.index_cast %mul3A_270 : i32 to index
        %get3A_271 = arith.constant 0 : index
        %get3A_272 = tpu.vector_load %arg17[%get3A, %get3A_271] {strides = array<i32>} : memref<80x128xf32, #tpu.memory_space<vmem>>, vector<1x16xf32>,
        %get3A_273 = vector.shape_cast %get3A_272 : vector<1x16xf32> to vector<16xf32>
        %add3A_274 = arith.constant 1 : i32
        %add3A_275 = arith.addi %mul3A_270, %add3A_274 : i32
        %get3A_276 = arith.index_cast %add3A_275 : i32 to index
        %get3A_277 = arith.constant 0 : index
        %get3A_278 = tpu.vector_load %arg17[%get3A_276, %get3A_277] {strides = array<i32>} : memref<80x128xf32, #tpu.memory_space<vmem>>, vector<1x16xf32>,
        %get3A_279 = vector.shape_cast %get3A_278 : vector<1x16xf32> to vector<16xf32>
        %add3A_280 = arith.addf %get3A_273, %get3A_279 : vector<16xf32>
        %get3A_281 = arith.index_cast %mul3A_270 : i32 to index
        %get3A_282 = arith.constant 16 : index
        %get3A_283 = tpu.vector_load %arg17[%get3A_281, %get3A_282] {strides = array<i32>} : memref<80x128xf32, #tpu.memory_space<vmem>>, vector<1x16xf32>,
        %get3A_284 = vector.shape_cast %get3A_283 : vector<1x16xf32> to vector<16xf32>
        %add3A_285 = arith.constant 1 : i32
        %add3A_286 = arith.addi %mul3A_270, %add3A_285 : i32
        %get3A_287 = arith.index_cast %add3A_286 : i32 to index
        %get3A_288 = arith.constant 16 : index
        %get3A_289 = tpu.vector_load %arg17[%get3A_287, %get3A_288] {strides = array<i32>} : memref<80x128xf32, #tpu.memory_space<vmem>>, vector<1x16xf32>,
        %get3A_290 = vector.shape_cast %get3A_289 : vector<1x16xf32> to vector<16xf32>
        %add3A_291 = arith.addf %get3A_284, %get3A_290 : vector<16xf32>
        %get3A_292 = arith.index_cast %mul3A_270 : i32 to index
        %get3A_293 = arith.constant 32 : index
        %get3A_294 = tpu.vector_load %arg17[%get3A_292, %get3A_293] {strides = array<i32>} : memref<80x128xf32, #tpu.memory_space<vmem>>, vector<1x16xf32>,
        %get3A_295 = vector.shape_cast %get3A_294 : vector<1x16xf32> to vector<16xf32>
        %add3A_296 = arith.constant 1 : i32
        %add3A_297 = arith.addi %mul3A_270, %add3A_296 : i32
        %get3A_298 = arith.index_cast %add3A_297 : i32 to index
        %get3A_299 = arith.constant 32 : index
        %get3A_300 = tpu.vector_load %arg17[%get3A_298, %get3A_299] {strides = array<i32>} : memref<80x128xf32, #tpu.memory_space<vmem>>, vector<1x16xf32>,
        %get3A_301 = vector.shape_cast %get3A_300 : vector<1x16xf32> to vector<16xf32>
        %add3A_302 = arith.addf %get3A_295, %get3A_301 : vector<16xf32>
        %get3A_303 = arith.index_cast %mul3A_270 : i32 to index
        %get3A_304 = arith.constant 48 : index
        %get3A_305 = tpu.vector_load %arg17[%get3A_303, %get3A_304] {strides = array<i32>} : memref<80x128xf32, #tpu.memory_space<vmem>>, vector<1x16xf32>,
        %get3A_306 = vector.shape_cast %get3A_305 : vector<1x16xf32> to vector<16xf32>
        %add3A_307 = arith.constant 1 : i32
        %add3A_308 = arith.addi %mul3A_270, %add3A_307 : i32
        %get3A_309 = arith.index_cast %add3A_308 : i32 to index
        %get3A_310 = arith.constant 48 : index
        %get3A_311 = tpu.vector_load %arg17[%get3A_309, %get3A_310] {strides = array<i32>} : memref<80x128xf32, #tpu.memory_space<vmem>>, vector<1x16xf32>,
        %get3A_312 = vector.shape_cast %get3A_311 : vector<1x16xf32> to vector<16xf32>
        %add3A_313 = arith.addf %get3A_306, %get3A_312 : vector<16xf32>
        %get3A_314 = arith.index_cast %mul3A_270 : i32 to index
        %get3A_315 = arith.constant 64 : index
        %get3A_316 = tpu.vector_load %arg17[%get3A_314, %get3A_315] {strides = array<i32>} : memref<80x128xf32, #tpu.memory_space<vmem>>, vector<1x16xf32>,
        %get3A_317 = vector.shape_cast %get3A_316 : vector<1x16xf32> to vector<16xf32>
        %add3A_318 = arith.constant 1 : i32
        %add3A_319 = arith.addi %mul3A_270, %add3A_318 : i32
        %get3A_320 = arith.index_cast %add3A_319 : i32 to index
        %get3A_321 = arith.constant 64 : index
        %get3A_322 = tpu.vector_load %arg17[%get3A_320, %get3A_321] {strides = array<i32>} : memref<80x128xf32, #tpu.memory_space<vmem>>, vector<1x16xf32>,
        %get3A_323 = vector.shape_cast %get3A_322 : vector<1x16xf32> to vector<16xf32>
        %add3A_324 = arith.addf %get3A_317, %get3A_323 : vector<16xf32>
        %get3A_325 = arith.index_cast %mul3A_270 : i32 to index
        %get3A_326 = arith.constant 80 : index
        %get3A_327 = tpu.vector_load %arg17[%get3A_325, %get3A_326] {strides = array<i32>} : memref<80x128xf32, #tpu.memory_space<vmem>>, vector<1x16xf32>,
        %get3A_328 = vector.shape_cast %get3A_327 : vector<1x16xf32> to vector<16xf32>
        %add3A_329 = arith.constant 1 : i32
        %add3A_330 = arith.addi %mul3A_270, %add3A_329 : i32
        %get3A_331 = arith.index_cast %add3A_330 : i32 to index
        %get3A_332 = arith.constant 80 : index
        %get3A_333 = tpu.vector_load %arg17[%get3A_331, %get3A_332] {strides = array<i32>} : memref<80x128xf32, #tpu.memory_space<vmem>>, vector<1x16xf32>,
        %get3A_334 = vector.shape_cast %get3A_333 : vector<1x16xf32> to vector<16xf32>
        %add3A_335 = arith.addf %get3A_328, %get3A_334 : vector<16xf32>
        %get3A_336 = arith.index_cast %mul3A_270 : i32 to index
        %get3A_337 = arith.constant 96 : index
        %get3A_338 = tpu.vector_load %arg17[%get3A_336, %get3A_337] {strides = array<i32>} : memref<80x128xf32, #tpu.memory_space<vmem>>, vector<1x16xf32>,
        %get3A_339 = vector.shape_cast %get3A_338 : vector<1x16xf32> to vector<16xf32>
        %add3A_340 = arith.constant 1 : i32
        %add3A_341 = arith.addi %mul3A_270, %add3A_340 : i32
        %get3A_342 = arith.index_cast %add3A_341 : i32 to index
        %get3A_343 = arith.constant 96 : index
        %get3A_344 = tpu.vector_load %arg17[%get3A_342, %get3A_343] {strides = array<i32>} : memref<80x128xf32, #tpu.memory_space<vmem>>, vector<1x16xf32>,
        %get3A_345 = vector.shape_cast %get3A_344 : vector<1x16xf32> to vector<16xf32>
        %add3A_346 = arith.addf %get3A_339, %get3A_345 : vector<16xf32>
        %get3A_347 = arith.index_cast %mul3A_270 : i32 to index
        %get3A_348 = arith.constant 112 : index
        %get3A_349 = tpu.vector_load %arg17[%get3A_347, %get3A_348] {strides = array<i32>} : memref<80x128xf32, #tpu.memory_space<vmem>>, vector<1x16xf32>,
        %get3A_350 = vector.shape_cast %get3A_349 : vector<1x16xf32> to vector<16xf32>
        %add3A_351 = arith.constant 1 : i32
        %add3A_352 = arith.addi %mul3A_270, %add3A_351 : i32
        %get3A_353 = arith.index_cast %add3A_352 : i32 to index
        %get3A_354 = arith.constant 112 : index
        %get3A_355 = tpu.vector_load %arg17[%get3A_353, %get3A_354] {strides = array<i32>} : memref<80x128xf32, #tpu.memory_space<vmem>>, vector<1x16xf32>,
        %get3A_356 = vector.shape_cast %get3A_355 : vector<1x16xf32> to vector<16xf32>
        %add3A_357 = arith.addf %get3A_350, %get3A_356 : vector<16xf32>
        %scan3A_358 = arith.constant 1 : i32
        %scan3A_359 = arith.constant 9 : i32
        %scan3A_360 = arith.addi %scan3A_358, %scan3A_359 : i32
        %scan3A_361 = arith.constant 1 : i32
        %scan3A_362:8 = scf.for %scan3A_411 = %scan3A_358 to %scan3A_360 step %scan3A_361 iter_args(%scan3A_412 = %add3A_280, %scan3A_413 = %add3A_291, %scan3A_414 = %add3A_302, %scan3A_415 = %add3A_313, %scan3A_416 = %add3A_324, %scan3A_417 = %add3A_335, %scan3A_418 = %add3A_346, %scan3A_419 = %add3A_357) -> (vector<16xf32>, vector<16xf32>, vector<16xf32>, vector<16xf32>, vector<16xf32>, vector<16xf32>, vector<16xf32>, vector<16xf32>)  : i32 {
          %mul3A_420 = arith.constant 2 : i32
          %mul3A_421 = arith.muli %mul3A_420, %scan3A_411 : i32
          %add3A_422 = arith.addi %mul3A_270, %mul3A_421 : i32
          %get3A_423 = arith.index_cast %add3A_422 : i32 to index
          %get3A_424 = arith.constant 0 : index
          %get3A_425 = tpu.vector_load %arg17[%get3A_423, %get3A_424] {strides = array<i32>} : memref<80x128xf32, #tpu.memory_space<vmem>>, vector<1x16xf32>,
          %get3A_426 = vector.shape_cast %get3A_425 : vector<1x16xf32> to vector<16xf32>
          %add3A_427 = arith.addf %scan3A_412, %get3A_426 : vector<16xf32>
          %add3A_428 = arith.constant 1 : i32
          %add3A_429 = arith.addi %add3A_422, %add3A_428 : i32
          %get3A_430 = arith.index_cast %add3A_429 : i32 to index
          %get3A_431 = arith.constant 0 : index
          %get3A_432 = tpu.vector_load %arg17[%get3A_430, %get3A_431] {strides = array<i32>} : memref<80x128xf32, #tpu.memory_space<vmem>>, vector<1x16xf32>,
          %get3A_433 = vector.shape_cast %get3A_432 : vector<1x16xf32> to vector<16xf32>
          %add3A_434 = arith.addf %add3A_427, %get3A_433 : vector<16xf32>
          %get3A_435 = arith.index_cast %add3A_422 : i32 to index
          %get3A_436 = arith.constant 16 : index
          %get3A_437 = tpu.vector_load %arg17[%get3A_435, %get3A_436] {strides = array<i32>} : memref<80x128xf32, #tpu.memory_space<vmem>>, vector<1x16xf32>,
          %get3A_438 = vector.shape_cast %get3A_437 : vector<1x16xf32> to vector<16xf32>
          %add3A_439 = arith.addf %scan3A_413, %get3A_438 : vector<16xf32>
          %add3A_440 = arith.constant 1 : i32
          %add3A_441 = arith.addi %add3A_422, %add3A_440 : i32
          %get3A_442 = arith.index_cast %add3A_441 : i32 to index
          %get3A_443 = arith.constant 16 : index
          %get3A_444 = tpu.vector_load %arg17[%get3A_442, %get3A_443] {strides = array<i32>} : memref<80x128xf32, #tpu.memory_space<vmem>>, vector<1x16xf32>,
          %get3A_445 = vector.shape_cast %get3A_444 : vector<1x16xf32> to vector<16xf32>
          %add3A_446 = arith.addf %add3A_439, %get3A_445 : vector<16xf32>
          %get3A_447 = arith.index_cast %add3A_422 : i32 to index
          %get3A_448 = arith.constant 32 : index
          %get3A_449 = tpu.vector_load %arg17[%get3A_447, %get3A_448] {strides = array<i32>} : memref<80x128xf32, #tpu.memory_space<vmem>>, vector<1x16xf32>,
          %get3A_450 = vector.shape_cast %get3A_449 : vector<1x16xf32> to vector<16xf32>
          %add3A_451 = arith.addf %scan3A_414, %get3A_450 : vector<16xf32>
          %add3A_452 = arith.constant 1 : i32
          %add3A_453 = arith.addi %add3A_422, %add3A_452 : i32
          %get3A_454 = arith.index_cast %add3A_453 : i32 to index
          %get3A_455 = arith.constant 32 : index
          %get3A_456 = tpu.vector_load %arg17[%get3A_454, %get3A_455] {strides = array<i32>} : memref<80x128xf32, #tpu.memory_space<vmem>>, vector<1x16xf32>,
          %get3A_457 = vector.shape_cast %get3A_456 : vector<1x16xf32> to vector<16xf32>
          %add3A_458 = arith.addf %add3A_451, %get3A_457 : vector<16xf32>
          %get3A_459 = arith.index_cast %add3A_422 : i32 to index
          %get3A_460 = arith.constant 48 : index
          %get3A_461 = tpu.vector_load %arg17[%get3A_459, %get3A_460] {strides = array<i32>} : memref<80x128xf32, #tpu.memory_space<vmem>>, vector<1x16xf32>,
          %get3A_462 = vector.shape_cast %get3A_461 : vector<1x16xf32> to vector<16xf32>
          %add3A_463 = arith.addf %scan3A_415, %get3A_462 : vector<16xf32>
          %add3A_464 = arith.constant 1 : i32
          %add3A_465 = arith.addi %add3A_422, %add3A_464 : i32
          %get3A_466 = arith.index_cast %add3A_465 : i32 to index
          %get3A_467 = arith.constant 48 : index
          %get3A_468 = tpu.vector_load %arg17[%get3A_466, %get3A_467] {strides = array<i32>} : memref<80x128xf32, #tpu.memory_space<vmem>>, vector<1x16xf32>,
          %get3A_469 = vector.shape_cast %get3A_468 : vector<1x16xf32> to vector<16xf32>
          %add3A_470 = arith.addf %add3A_463, %get3A_469 : vector<16xf32>
          %get3A_471 = arith.index_cast %add3A_422 : i32 to index
          %get3A_472 = arith.constant 64 : index
          %get3A_473 = tpu.vector_load %arg17[%get3A_471, %get3A_472] {strides = array<i32>} : memref<80x128xf32, #tpu.memory_space<vmem>>, vector<1x16xf32>,
          %get3A_474 = vector.shape_cast %get3A_473 : vector<1x16xf32> to vector<16xf32>
          %add3A_475 = arith.addf %scan3A_416, %get3A_474 : vector<16xf32>
          %add3A_476 = arith.constant 1 : i32
          %add3A_477 = arith.addi %add3A_422, %add3A_476 : i32
          %get3A_478 = arith.index_cast %add3A_477 : i32 to index
          %get3A_479 = arith.constant 64 : index
          %get3A_480 = tpu.vector_load %arg17[%get3A_478, %get3A_479] {strides = array<i32>} : memref<80x128xf32, #tpu.memory_space<vmem>>, vector<1x16xf32>,
          %get3A_481 = vector.shape_cast %get3A_480 : vector<1x16xf32> to vector<16xf32>
          %add3A_482 = arith.addf %add3A_475, %get3A_481 : vector<16xf32>
          %get3A_483 = arith.index_cast %add3A_422 : i32 to index
          %get3A_484 = arith.constant 80 : index
          %get3A_485 = tpu.vector_load %arg17[%get3A_483, %get3A_484] {strides = array<i32>} : memref<80x128xf32, #tpu.memory_space<vmem>>, vector<1x16xf32>,
          %get3A_486 = vector.shape_cast %get3A_485 : vector<1x16xf32> to vector<16xf32>
          %add3A_487 = arith.addf %scan3A_417, %get3A_486 : vector<16xf32>
          %add3A_488 = arith.constant 1 : i32
          %add3A_489 = arith.addi %add3A_422, %add3A_488 : i32
          %get3A_490 = arith.index_cast %add3A_489 : i32 to index
          %get3A_491 = arith.constant 80 : index
          %get3A_492 = tpu.vector_load %arg17[%get3A_490, %get3A_491] {strides = array<i32>} : memref<80x128xf32, #tpu.memory_space<vmem>>, vector<1x16xf32>,
          %get3A_493 = vector.shape_cast %get3A_492 : vector<1x16xf32> to vector<16xf32>
          %add3A_494 = arith.addf %add3A_487, %get3A_493 : vector<16xf32>
          %get3A_495 = arith.index_cast %add3A_422 : i32 to index
          %get3A_496 = arith.constant 96 : index
          %get3A_497 = tpu.vector_load %arg17[%get3A_495, %get3A_496] {strides = array<i32>} : memref<80x128xf32, #tpu.memory_space<vmem>>, vector<1x16xf32>,
          %get3A_498 = vector.shape_cast %get3A_497 : vector<1x16xf32> to vector<16xf32>
          %add3A_499 = arith.addf %scan3A_418, %get3A_498 : vector<16xf32>
          %add3A_500 = arith.constant 1 : i32
          %add3A_501 = arith.addi %add3A_422, %add3A_500 : i32
          %get3A_502 = arith.index_cast %add3A_501 : i32 to index
          %get3A_503 = arith.constant 96 : index
          %get3A_504 = tpu.vector_load %arg17[%get3A_502, %get3A_503] {strides = array<i32>} : memref<80x128xf32, #tpu.memory_space<vmem>>, vector<1x16xf32>,
          %get3A_505 = vector.shape_cast %get3A_504 : vector<1x16xf32> to vector<16xf32>
          %add3A_506 = arith.addf %add3A_499, %get3A_505 : vector<16xf32>
          %get3A_507 = arith.index_cast %add3A_422 : i32 to index
          %get3A_508 = arith.constant 112 : index
          %get3A_509 = tpu.vector_load %arg17[%get3A_507, %get3A_508] {strides = array<i32>} : memref<80x128xf32, #tpu.memory_space<vmem>>, vector<1x16xf32>,
          %get3A_510 = vector.shape_cast %get3A_509 : vector<1x16xf32> to vector<16xf32>
          %add3A_511 = arith.addf %scan3A_419, %get3A_510 : vector<16xf32>
          %add3A_512 = arith.constant 1 : i32
          %add3A_513 = arith.addi %add3A_422, %add3A_512 : i32
          %get3A_514 = arith.index_cast %add3A_513 : i32 to index
          %get3A_515 = arith.constant 112 : index
          %get3A_516 = tpu.vector_load %arg17[%get3A_514, %get3A_515] {strides = array<i32>} : memref<80x128xf32, #tpu.memory_space<vmem>>, vector<1x16xf32>,
          %get3A_517 = vector.shape_cast %get3A_516 : vector<1x16xf32> to vector<16xf32>
          %add3A_518 = arith.addf %add3A_511, %get3A_517 : vector<16xf32>
          scf.yield %add3A_434, %add3A_446, %add3A_458, %add3A_470, %add3A_482, %add3A_494, %add3A_506, %add3A_518 : vector<16xf32>, vector<16xf32>, vector<16xf32>, vector<16xf32>, vector<16xf32>, vector<16xf32>, vector<16xf32>, vector<16xf32>
        }
        %scan3A_363 = arith.constant 9 : i32
        %add3A_364 = arith.addi %sub3A_198, %scan3A_268 : i32
        %swap3A = arith.index_cast %add3A_364 : i32 to index
        %swap3A_365 = arith.constant 0 : index
        %swap3A_366 = tpu.vector_load %arg19[%swap3A, %swap3A_365] {strides = array<i32>} : memref<128x128xf32, #tpu.memory_space<vmem>>, vector<1x16xf32>,
        %swap3A_367 = vector.shape_cast %swap3A_366 : vector<1x16xf32> to vector<16xf32>
        %swap3A_368 = vector.shape_cast %scan3A_362#0 : vector<16xf32> to vector<1x16xf32>
        tpu.vector_store %arg19[%swap3A, %swap3A_365], %swap3A_368 {strides = array<i32>} : memref<128x128xf32, #tpu.memory_space<vmem>>, vector<1x16xf32>,
        %add3A_369 = arith.addi %sub3A_198, %scan3A_268 : i32
        %swap3A_370 = arith.index_cast %add3A_369 : i32 to index
        %swap3A_371 = arith.constant 16 : index
        %swap3A_372 = tpu.vector_load %arg19[%swap3A_370, %swap3A_371] {strides = array<i32>} : memref<128x128xf32, #tpu.memory_space<vmem>>, vector<1x16xf32>,
        %swap3A_373 = vector.shape_cast %swap3A_372 : vector<1x16xf32> to vector<16xf32>
        %swap3A_374 = vector.shape_cast %scan3A_362#1 : vector<16xf32> to vector<1x16xf32>
        tpu.vector_store %arg19[%swap3A_370, %swap3A_371], %swap3A_374 {strides = array<i32>} : memref<128x128xf32, #tpu.memory_space<vmem>>, vector<1x16xf32>,
        %add3A_375 = arith.addi %sub3A_198, %scan3A_268 : i32
        %swap3A_376 = arith.index_cast %add3A_375 : i32 to index
        %swap3A_377 = arith.constant 32 : index
        %swap3A_378 = tpu.vector_load %arg19[%swap3A_376, %swap3A_377] {strides = array<i32>} : memref<128x128xf32, #tpu.memory_space<vmem>>, vector<1x16xf32>,
        %swap3A_379 = vector.shape_cast %swap3A_378 : vector<1x16xf32> to vector<16xf32>
        %swap3A_380 = vector.shape_cast %scan3A_362#2 : vector<16xf32> to vector<1x16xf32>
        tpu.vector_store %arg19[%swap3A_376, %swap3A_377], %swap3A_380 {strides = array<i32>} : memref<128x128xf32, #tpu.memory_space<vmem>>, vector<1x16xf32>,
        %add3A_381 = arith.addi %sub3A_198, %scan3A_268 : i32
        %swap3A_382 = arith.index_cast %add3A_381 : i32 to index
        %swap3A_383 = arith.constant 48 : index
        %swap3A_384 = tpu.vector_load %arg19[%swap3A_382, %swap3A_383] {strides = array<i32>} : memref<128x128xf32, #tpu.memory_space<vmem>>, vector<1x16xf32>,
        %swap3A_385 = vector.shape_cast %swap3A_384 : vector<1x16xf32> to vector<16xf32>
        %swap3A_386 = vector.shape_cast %scan3A_362#3 : vector<16xf32> to vector<1x16xf32>
        tpu.vector_store %arg19[%swap3A_382, %swap3A_383], %swap3A_386 {strides = array<i32>} : memref<128x128xf32, #tpu.memory_space<vmem>>, vector<1x16xf32>,
        %add3A_387 = arith.addi %sub3A_198, %scan3A_268 : i32
        %swap3A_388 = arith.index_cast %add3A_387 : i32 to index
        %swap3A_389 = arith.constant 64 : index
        %swap3A_390 = tpu.vector_load %arg19[%swap3A_388, %swap3A_389] {strides = array<i32>} : memref<128x128xf32, #tpu.memory_space<vmem>>, vector<1x16xf32>,
        %swap3A_391 = vector.shape_cast %swap3A_390 : vector<1x16xf32> to vector<16xf32>
        %swap3A_392 = vector.shape_cast %scan3A_362#4 : vector<16xf32> to vector<1x16xf32>
        tpu.vector_store %arg19[%swap3A_388, %swap3A_389], %swap3A_392 {strides = array<i32>} : memref<128x128xf32, #tpu.memory_space<vmem>>, vector<1x16xf32>,
        %add3A_393 = arith.addi %sub3A_198, %scan3A_268 : i32
        %swap3A_394 = arith.index_cast %add3A_393 : i32 to index
        %swap3A_395 = arith.constant 80 : index
        %swap3A_396 = tpu.vector_load %arg19[%swap3A_394, %swap3A_395] {strides = array<i32>} : memref<128x128xf32, #tpu.memory_space<vmem>>, vector<1x16xf32>,
        %swap3A_397 = vector.shape_cast %swap3A_396 : vector<1x16xf32> to vector<16xf32>
        %swap3A_398 = vector.shape_cast %scan3A_362#5 : vector<16xf32> to vector<1x16xf32>
        tpu.vector_store %arg19[%swap3A_394, %swap3A_395], %swap3A_398 {strides = array<i32>} : memref<128x128xf32, #tpu.memory_space<vmem>>, vector<1x16xf32>,
        %add3A_399 = arith.addi %sub3A_198, %scan3A_268 : i32
        %swap3A_400 = arith.index_cast %add3A_399 : i32 to index
        %swap3A_401 = arith.constant 96 : index
        %swap3A_402 = tpu.vector_load %arg19[%swap3A_400, %swap3A_401] {strides = array<i32>} : memref<128x128xf32, #tpu.memory_space<vmem>>, vector<1x16xf32>,
        %swap3A_403 = vector.shape_cast %swap3A_402 : vector<1x16xf32> to vector<16xf32>
        %swap3A_404 = vector.shape_cast %scan3A_362#6 : vector<16xf32> to vector<1x16xf32>
        tpu.vector_store %arg19[%swap3A_400, %swap3A_401], %swap3A_404 {strides = array<i32>} : memref<128x128xf32, #tpu.memory_space<vmem>>, vector<1x16xf32>,
        %add3A_405 = arith.addi %sub3A_198, %scan3A_268 : i32
        %swap3A_406 = arith.index_cast %add3A_405 : i32 to index
        %swap3A_407 = arith.constant 112 : index
        %swap3A_408 = tpu.vector_load %arg19[%swap3A_406, %swap3A_407] {strides = array<i32>} : memref<128x128xf32, #tpu.memory_space<vmem>>, vector<1x16xf32>,
        %swap3A_409 = vector.shape_cast %swap3A_408 : vector<1x16xf32> to vector<16xf32>
        %swap3A_410 = vector.shape_cast %scan3A_362#7 : vector<16xf32> to vector<1x16xf32>
        tpu.vector_store %arg19[%swap3A_406, %swap3A_407], %swap3A_410 {strides = array<i32>} : memref<128x128xf32, #tpu.memory_space<vmem>>, vector<1x16xf32>,
      }
      %scan3A_204 = arith.constant 4 : i32
      %add3A_205 = arith.constant 4 : i32
      %add3A_206 = arith.addi %add3A_185, %add3A_205 : i32
      %lt3A_207 = arith.constant 32 : i32
      %lt3A_208 = arith.cmpi slt, %add3A_206, %lt3A_207 : i32
      %convert_element_type3A_209 = arith.extui %lt3A_208 : i1 to i32
      %cond3A_210 = arith.constant 0 : i32
      %cond3A_211 = arith.cmpi ne, %convert_element_type3A_209, %cond3A_210 : i32
      scf.if %cond3A_211 {
        %mul3A_268 = arith.constant 80 : i32
        %mul3A_269 = arith.muli %add3A_206, %mul3A_268 : i32
        %dma_start3A_270 = tpu.memref_slice %arg13[%mul3A_269] : memref<2560xi32, #tpu.memory_space<vmem>> -> memref<80xi32, #tpu.memory_space<vmem>>
        %dma_start3A_271 = arith.constant 0 : i32
        %dma_start3A_272 = arith.constant 0 : i32
        %dma_start3A_273 = tpu.memref_slice %arg6[%dma_start3A_271, %dma_start3A_272] : memref<100000x128xf32, #tpu.memory_space<hbm>> -> memref<100000x128xf32, #tpu.memory_space<hbm>>
        tpu.enqueue_indirect_dma source(%dma_start3A_273 : memref<100000x128xf32, #tpu.memory_space<hbm>>) target(%arg17 : memref<80x128xf32, #tpu.memory_space<vmem>>) offsets(%dma_start3A_270 : memref<80xi32, #tpu.memory_space<vmem>>) semaphore(%arg23 : memref<!tpu.dma_semaphore, #tpu.memory_space<semaphore_mem>>)
      } else {
      }
      %ge3A_212 = arith.constant 32 : i32
      %ge3A_213 = arith.cmpi sge, %add3A_206, %ge3A_212 : i32
      %lt3A_214 = arith.constant 64 : i32
      %lt3A_215 = arith.cmpi slt, %add3A_206, %lt3A_214 : i32
      %and3A_216 = arith.andi %ge3A_213, %lt3A_215 : i1
      %convert_element_type3A_217 = arith.extui %and3A_216 : i1 to i32
      %cond3A_218 = arith.constant 0 : i32
      %cond3A_219 = arith.cmpi ne, %convert_element_type3A_217, %cond3A_218 : i32
      scf.if %cond3A_219 {
        %sub3A_268 = arith.constant 32 : i32
        %sub3A_269 = arith.subi %add3A_206, %sub3A_268 : i32
        %mul3A_270 = arith.constant 80 : i32
        %mul3A_271 = arith.muli %sub3A_269, %mul3A_270 : i32
        %dma_start3A_272 = tpu.memref_slice %arg14[%mul3A_271] : memref<2560xi32, #tpu.memory_space<vmem>> -> memref<80xi32, #tpu.memory_space<vmem>>
        %dma_start3A_273 = arith.constant 0 : i32
        %dma_start3A_274 = arith.constant 0 : i32
        %dma_start3A_275 = tpu.memref_slice %arg5[%dma_start3A_273, %dma_start3A_274] : memref<100000x128xf32, #tpu.memory_space<hbm>> -> memref<100000x128xf32, #tpu.memory_space<hbm>>
        tpu.enqueue_indirect_dma source(%dma_start3A_275 : memref<100000x128xf32, #tpu.memory_space<hbm>>) target(%arg17 : memref<80x128xf32, #tpu.memory_space<vmem>>) offsets(%dma_start3A_272 : memref<80xi32, #tpu.memory_space<vmem>>) semaphore(%arg23 : memref<!tpu.dma_semaphore, #tpu.memory_space<semaphore_mem>>)
      } else {
      }
      %eq3A_220 = arith.constant 31 : i32
      %eq3A_221 = arith.cmpi eq, %add3A_185, %eq3A_220 : i32
      %convert_element_type3A_222 = arith.extui %eq3A_221 : i1 to i32
      %cond3A_223 = arith.constant 0 : i32
      %cond3A_224 = arith.cmpi ne, %convert_element_type3A_222, %cond3A_223 : i32
      scf.if %cond3A_224 {
        "tpu.region"() ({
          %run_scoped3A = tpu.sem_alloc : memref<!tpu.dma_semaphore, #tpu.memory_space<semaphore_mem>>
          %dma_start3A_268 = arith.constant 0 : i32
          %dma_start3A_269 = tpu.memref_slice %arg9[%mul3A_2, %dma_start3A_268] : memref<4096x128xf32, #tpu.memory_space<hbm>> -> memref<128x128xf32, #tpu.memory_space<hbm>>
          %dma_start3A_270 = arith.constant 0 : i32
          %dma_start3A_271 = tpu.memref_slice %arg9[%mul3A_2, %dma_start3A_270] : memref<4096x128xf32, #tpu.memory_space<hbm>> -> memref<128x128xf32, #tpu.memory_space<hbm>>
          tpu.enqueue_dma source(%arg19 : memref<128x128xf32, #tpu.memory_space<vmem>>) target(%dma_start3A_271 : memref<128x128xf32, #tpu.memory_space<hbm>>) target_semaphore(%run_scoped3A : memref<!tpu.dma_semaphore, #tpu.memory_space<semaphore_mem>>)
          %dma_wait3A_272 = arith.constant 0 : i32
          %dma_wait3A_273 = tpu.memref_slice %arg9[%mul3A_2, %dma_wait3A_272] : memref<4096x128xf32, #tpu.memory_space<hbm>> -> memref<128x128xf32, #tpu.memory_space<hbm>>
          %dma_wait3A_274 = arith.constant 0 : i32
          %dma_wait3A_275 = tpu.memref_slice %arg9[%mul3A_2, %dma_wait3A_274] : memref<4096x128xf32, #tpu.memory_space<hbm>> -> memref<128x128xf32, #tpu.memory_space<hbm>>
          tpu.wait_dma2 semaphore(%run_scoped3A : memref<!tpu.dma_semaphore, #tpu.memory_space<semaphore_mem>>) src(%arg19 : memref<128x128xf32, #tpu.memory_space<vmem>>) dst(%dma_wait3A_275 : memref<128x128xf32, #tpu.memory_space<hbm>>)
          tpu.yield
        }) : () -> ()
      } else {
      }
      %mul3A_225 = arith.constant 4 : i32
      %mul3A_226 = arith.muli %mul3A_225, %scan3A_104 : i32
      %add3A_227 = arith.constant 3 : i32
      %add3A_228 = arith.addi %mul3A_226, %add3A_227 : i32
      %dma_wait3A_229 = arith.constant 0 : i32
      %dma_wait3A_230 = tpu.memref_slice %arg13[%dma_wait3A_229] : memref<2560xi32, #tpu.memory_space<vmem>> -> memref<80xi32, #tpu.memory_space<vmem>>
      %dma_wait3A_231 = arith.constant 0 : i32
      %dma_wait3A_232 = arith.constant 0 : i32
      %dma_wait3A_233 = tpu.memref_slice %arg6[%dma_wait3A_231, %dma_wait3A_232] : memref<100000x128xf32, #tpu.memory_space<hbm>> -> memref<100000x128xf32, #tpu.memory_space<hbm>>
      tpu.wait_indirect_dma semaphore(%arg24 : memref<!tpu.dma_semaphore, #tpu.memory_space<semaphore_mem>>) src(%dma_wait3A_233 : memref<100000x128xf32, #tpu.memory_space<hbm>>) dst(%arg18 : memref<80x128xf32, #tpu.memory_space<vmem>>)
      %mul3A_234 = arith.constant 4 : i32
      %mul3A_235 = arith.muli %mul3A_234, %add3A_228 : i32
      %ge3A_236 = arith.constant 32 : i32
      %ge3A_237 = arith.cmpi sge, %add3A_228, %ge3A_236 : i32
      %jit3A_238 = arith.constant 128 : i32
      %jit3A_239 = arith.constant 0 : i32
      %select_n3A_240 = arith.select %ge3A_237, %jit3A_238, %jit3A_239 : i32
      %sub3A_241 = arith.subi %mul3A_235, %select_n3A_240 : i32
      %scan3A_242 = arith.constant 0 : i32
      %scan3A_243 = arith.constant 0 : i32
      %scan3A_244 = arith.constant 4 : i32
      %scan3A_245 = arith.addi %scan3A_243, %scan3A_244 : i32
      %scan3A_246 = arith.constant 1 : i32
      scf.for %scan3A_268 = %scan3A_243 to %scan3A_245 step %scan3A_246  : i32 {
        %mul3A_269 = arith.constant 20 : i32
        %mul3A_270 = arith.muli %mul3A_269, %scan3A_268 : i32
        %get3A = arith.index_cast %mul3A_270 : i32 to index
        %get3A_271 = arith.constant 0 : index
        %get3A_272 = tpu.vector_load %arg18[%get3A, %get3A_271] {strides = array<i32>} : memref<80x128xf32, #tpu.memory_space<vmem>>, vector<1x16xf32>,
        %get3A_273 = vector.shape_cast %get3A_272 : vector<1x16xf32> to vector<16xf32>
        %add3A_274 = arith.constant 1 : i32
        %add3A_275 = arith.addi %mul3A_270, %add3A_274 : i32
        %get3A_276 = arith.index_cast %add3A_275 : i32 to index
        %get3A_277 = arith.constant 0 : index
        %get3A_278 = tpu.vector_load %arg18[%get3A_276, %get3A_277] {strides = array<i32>} : memref<80x128xf32, #tpu.memory_space<vmem>>, vector<1x16xf32>,
        %get3A_279 = vector.shape_cast %get3A_278 : vector<1x16xf32> to vector<16xf32>
        %add3A_280 = arith.addf %get3A_273, %get3A_279 : vector<16xf32>
        %get3A_281 = arith.index_cast %mul3A_270 : i32 to index
        %get3A_282 = arith.constant 16 : index
        %get3A_283 = tpu.vector_load %arg18[%get3A_281, %get3A_282] {strides = array<i32>} : memref<80x128xf32, #tpu.memory_space<vmem>>, vector<1x16xf32>,
        %get3A_284 = vector.shape_cast %get3A_283 : vector<1x16xf32> to vector<16xf32>
        %add3A_285 = arith.constant 1 : i32
        %add3A_286 = arith.addi %mul3A_270, %add3A_285 : i32
        %get3A_287 = arith.index_cast %add3A_286 : i32 to index
        %get3A_288 = arith.constant 16 : index
        %get3A_289 = tpu.vector_load %arg18[%get3A_287, %get3A_288] {strides = array<i32>} : memref<80x128xf32, #tpu.memory_space<vmem>>, vector<1x16xf32>,
        %get3A_290 = vector.shape_cast %get3A_289 : vector<1x16xf32> to vector<16xf32>
        %add3A_291 = arith.addf %get3A_284, %get3A_290 : vector<16xf32>
        %get3A_292 = arith.index_cast %mul3A_270 : i32 to index
        %get3A_293 = arith.constant 32 : index
        %get3A_294 = tpu.vector_load %arg18[%get3A_292, %get3A_293] {strides = array<i32>} : memref<80x128xf32, #tpu.memory_space<vmem>>, vector<1x16xf32>,
        %get3A_295 = vector.shape_cast %get3A_294 : vector<1x16xf32> to vector<16xf32>
        %add3A_296 = arith.constant 1 : i32
        %add3A_297 = arith.addi %mul3A_270, %add3A_296 : i32
        %get3A_298 = arith.index_cast %add3A_297 : i32 to index
        %get3A_299 = arith.constant 32 : index
        %get3A_300 = tpu.vector_load %arg18[%get3A_298, %get3A_299] {strides = array<i32>} : memref<80x128xf32, #tpu.memory_space<vmem>>, vector<1x16xf32>,
        %get3A_301 = vector.shape_cast %get3A_300 : vector<1x16xf32> to vector<16xf32>
        %add3A_302 = arith.addf %get3A_295, %get3A_301 : vector<16xf32>
        %get3A_303 = arith.index_cast %mul3A_270 : i32 to index
        %get3A_304 = arith.constant 48 : index
        %get3A_305 = tpu.vector_load %arg18[%get3A_303, %get3A_304] {strides = array<i32>} : memref<80x128xf32, #tpu.memory_space<vmem>>, vector<1x16xf32>,
        %get3A_306 = vector.shape_cast %get3A_305 : vector<1x16xf32> to vector<16xf32>
        %add3A_307 = arith.constant 1 : i32
        %add3A_308 = arith.addi %mul3A_270, %add3A_307 : i32
        %get3A_309 = arith.index_cast %add3A_308 : i32 to index
        %get3A_310 = arith.constant 48 : index
        %get3A_311 = tpu.vector_load %arg18[%get3A_309, %get3A_310] {strides = array<i32>} : memref<80x128xf32, #tpu.memory_space<vmem>>, vector<1x16xf32>,
        %get3A_312 = vector.shape_cast %get3A_311 : vector<1x16xf32> to vector<16xf32>
        %add3A_313 = arith.addf %get3A_306, %get3A_312 : vector<16xf32>
        %get3A_314 = arith.index_cast %mul3A_270 : i32 to index
        %get3A_315 = arith.constant 64 : index
        %get3A_316 = tpu.vector_load %arg18[%get3A_314, %get3A_315] {strides = array<i32>} : memref<80x128xf32, #tpu.memory_space<vmem>>, vector<1x16xf32>,
        %get3A_317 = vector.shape_cast %get3A_316 : vector<1x16xf32> to vector<16xf32>
        %add3A_318 = arith.constant 1 : i32
        %add3A_319 = arith.addi %mul3A_270, %add3A_318 : i32
        %get3A_320 = arith.index_cast %add3A_319 : i32 to index
        %get3A_321 = arith.constant 64 : index
        %get3A_322 = tpu.vector_load %arg18[%get3A_320, %get3A_321] {strides = array<i32>} : memref<80x128xf32, #tpu.memory_space<vmem>>, vector<1x16xf32>,
        %get3A_323 = vector.shape_cast %get3A_322 : vector<1x16xf32> to vector<16xf32>
        %add3A_324 = arith.addf %get3A_317, %get3A_323 : vector<16xf32>
        %get3A_325 = arith.index_cast %mul3A_270 : i32 to index
        %get3A_326 = arith.constant 80 : index
        %get3A_327 = tpu.vector_load %arg18[%get3A_325, %get3A_326] {strides = array<i32>} : memref<80x128xf32, #tpu.memory_space<vmem>>, vector<1x16xf32>,
        %get3A_328 = vector.shape_cast %get3A_327 : vector<1x16xf32> to vector<16xf32>
        %add3A_329 = arith.constant 1 : i32
        %add3A_330 = arith.addi %mul3A_270, %add3A_329 : i32
        %get3A_331 = arith.index_cast %add3A_330 : i32 to index
        %get3A_332 = arith.constant 80 : index
        %get3A_333 = tpu.vector_load %arg18[%get3A_331, %get3A_332] {strides = array<i32>} : memref<80x128xf32, #tpu.memory_space<vmem>>, vector<1x16xf32>,
        %get3A_334 = vector.shape_cast %get3A_333 : vector<1x16xf32> to vector<16xf32>
        %add3A_335 = arith.addf %get3A_328, %get3A_334 : vector<16xf32>
        %get3A_336 = arith.index_cast %mul3A_270 : i32 to index
        %get3A_337 = arith.constant 96 : index
        %get3A_338 = tpu.vector_load %arg18[%get3A_336, %get3A_337] {strides = array<i32>} : memref<80x128xf32, #tpu.memory_space<vmem>>, vector<1x16xf32>,
        %get3A_339 = vector.shape_cast %get3A_338 : vector<1x16xf32> to vector<16xf32>
        %add3A_340 = arith.constant 1 : i32
        %add3A_341 = arith.addi %mul3A_270, %add3A_340 : i32
        %get3A_342 = arith.index_cast %add3A_341 : i32 to index
        %get3A_343 = arith.constant 96 : index
        %get3A_344 = tpu.vector_load %arg18[%get3A_342, %get3A_343] {strides = array<i32>} : memref<80x128xf32, #tpu.memory_space<vmem>>, vector<1x16xf32>,
        %get3A_345 = vector.shape_cast %get3A_344 : vector<1x16xf32> to vector<16xf32>
        %add3A_346 = arith.addf %get3A_339, %get3A_345 : vector<16xf32>
        %get3A_347 = arith.index_cast %mul3A_270 : i32 to index
        %get3A_348 = arith.constant 112 : index
        %get3A_349 = tpu.vector_load %arg18[%get3A_347, %get3A_348] {strides = array<i32>} : memref<80x128xf32, #tpu.memory_space<vmem>>, vector<1x16xf32>,
        %get3A_350 = vector.shape_cast %get3A_349 : vector<1x16xf32> to vector<16xf32>
        %add3A_351 = arith.constant 1 : i32
        %add3A_352 = arith.addi %mul3A_270, %add3A_351 : i32
        %get3A_353 = arith.index_cast %add3A_352 : i32 to index
        %get3A_354 = arith.constant 112 : index
        %get3A_355 = tpu.vector_load %arg18[%get3A_353, %get3A_354] {strides = array<i32>} : memref<80x128xf32, #tpu.memory_space<vmem>>, vector<1x16xf32>,
        %get3A_356 = vector.shape_cast %get3A_355 : vector<1x16xf32> to vector<16xf32>
        %add3A_357 = arith.addf %get3A_350, %get3A_356 : vector<16xf32>
        %scan3A_358 = arith.constant 1 : i32
        %scan3A_359 = arith.constant 9 : i32
        %scan3A_360 = arith.addi %scan3A_358, %scan3A_359 : i32
        %scan3A_361 = arith.constant 1 : i32
        %scan3A_362:8 = scf.for %scan3A_411 = %scan3A_358 to %scan3A_360 step %scan3A_361 iter_args(%scan3A_412 = %add3A_280, %scan3A_413 = %add3A_291, %scan3A_414 = %add3A_302, %scan3A_415 = %add3A_313, %scan3A_416 = %add3A_324, %scan3A_417 = %add3A_335, %scan3A_418 = %add3A_346, %scan3A_419 = %add3A_357) -> (vector<16xf32>, vector<16xf32>, vector<16xf32>, vector<16xf32>, vector<16xf32>, vector<16xf32>, vector<16xf32>, vector<16xf32>)  : i32 {
          %mul3A_420 = arith.constant 2 : i32
          %mul3A_421 = arith.muli %mul3A_420, %scan3A_411 : i32
          %add3A_422 = arith.addi %mul3A_270, %mul3A_421 : i32
          %get3A_423 = arith.index_cast %add3A_422 : i32 to index
          %get3A_424 = arith.constant 0 : index
          %get3A_425 = tpu.vector_load %arg18[%get3A_423, %get3A_424] {strides = array<i32>} : memref<80x128xf32, #tpu.memory_space<vmem>>, vector<1x16xf32>,
          %get3A_426 = vector.shape_cast %get3A_425 : vector<1x16xf32> to vector<16xf32>
          %add3A_427 = arith.addf %scan3A_412, %get3A_426 : vector<16xf32>
          %add3A_428 = arith.constant 1 : i32
          %add3A_429 = arith.addi %add3A_422, %add3A_428 : i32
          %get3A_430 = arith.index_cast %add3A_429 : i32 to index
          %get3A_431 = arith.constant 0 : index
          %get3A_432 = tpu.vector_load %arg18[%get3A_430, %get3A_431] {strides = array<i32>} : memref<80x128xf32, #tpu.memory_space<vmem>>, vector<1x16xf32>,
          %get3A_433 = vector.shape_cast %get3A_432 : vector<1x16xf32> to vector<16xf32>
          %add3A_434 = arith.addf %add3A_427, %get3A_433 : vector<16xf32>
          %get3A_435 = arith.index_cast %add3A_422 : i32 to index
          %get3A_436 = arith.constant 16 : index
          %get3A_437 = tpu.vector_load %arg18[%get3A_435, %get3A_436] {strides = array<i32>} : memref<80x128xf32, #tpu.memory_space<vmem>>, vector<1x16xf32>,
          %get3A_438 = vector.shape_cast %get3A_437 : vector<1x16xf32> to vector<16xf32>
          %add3A_439 = arith.addf %scan3A_413, %get3A_438 : vector<16xf32>
          %add3A_440 = arith.constant 1 : i32
          %add3A_441 = arith.addi %add3A_422, %add3A_440 : i32
          %get3A_442 = arith.index_cast %add3A_441 : i32 to index
          %get3A_443 = arith.constant 16 : index
          %get3A_444 = tpu.vector_load %arg18[%get3A_442, %get3A_443] {strides = array<i32>} : memref<80x128xf32, #tpu.memory_space<vmem>>, vector<1x16xf32>,
          %get3A_445 = vector.shape_cast %get3A_444 : vector<1x16xf32> to vector<16xf32>
          %add3A_446 = arith.addf %add3A_439, %get3A_445 : vector<16xf32>
          %get3A_447 = arith.index_cast %add3A_422 : i32 to index
          %get3A_448 = arith.constant 32 : index
          %get3A_449 = tpu.vector_load %arg18[%get3A_447, %get3A_448] {strides = array<i32>} : memref<80x128xf32, #tpu.memory_space<vmem>>, vector<1x16xf32>,
          %get3A_450 = vector.shape_cast %get3A_449 : vector<1x16xf32> to vector<16xf32>
          %add3A_451 = arith.addf %scan3A_414, %get3A_450 : vector<16xf32>
          %add3A_452 = arith.constant 1 : i32
          %add3A_453 = arith.addi %add3A_422, %add3A_452 : i32
          %get3A_454 = arith.index_cast %add3A_453 : i32 to index
          %get3A_455 = arith.constant 32 : index
          %get3A_456 = tpu.vector_load %arg18[%get3A_454, %get3A_455] {strides = array<i32>} : memref<80x128xf32, #tpu.memory_space<vmem>>, vector<1x16xf32>,
          %get3A_457 = vector.shape_cast %get3A_456 : vector<1x16xf32> to vector<16xf32>
          %add3A_458 = arith.addf %add3A_451, %get3A_457 : vector<16xf32>
          %get3A_459 = arith.index_cast %add3A_422 : i32 to index
          %get3A_460 = arith.constant 48 : index
          %get3A_461 = tpu.vector_load %arg18[%get3A_459, %get3A_460] {strides = array<i32>} : memref<80x128xf32, #tpu.memory_space<vmem>>, vector<1x16xf32>,
          %get3A_462 = vector.shape_cast %get3A_461 : vector<1x16xf32> to vector<16xf32>
          %add3A_463 = arith.addf %scan3A_415, %get3A_462 : vector<16xf32>
          %add3A_464 = arith.constant 1 : i32
          %add3A_465 = arith.addi %add3A_422, %add3A_464 : i32
          %get3A_466 = arith.index_cast %add3A_465 : i32 to index
          %get3A_467 = arith.constant 48 : index
          %get3A_468 = tpu.vector_load %arg18[%get3A_466, %get3A_467] {strides = array<i32>} : memref<80x128xf32, #tpu.memory_space<vmem>>, vector<1x16xf32>,
          %get3A_469 = vector.shape_cast %get3A_468 : vector<1x16xf32> to vector<16xf32>
          %add3A_470 = arith.addf %add3A_463, %get3A_469 : vector<16xf32>
          %get3A_471 = arith.index_cast %add3A_422 : i32 to index
          %get3A_472 = arith.constant 64 : index
          %get3A_473 = tpu.vector_load %arg18[%get3A_471, %get3A_472] {strides = array<i32>} : memref<80x128xf32, #tpu.memory_space<vmem>>, vector<1x16xf32>,
          %get3A_474 = vector.shape_cast %get3A_473 : vector<1x16xf32> to vector<16xf32>
          %add3A_475 = arith.addf %scan3A_416, %get3A_474 : vector<16xf32>
          %add3A_476 = arith.constant 1 : i32
          %add3A_477 = arith.addi %add3A_422, %add3A_476 : i32
          %get3A_478 = arith.index_cast %add3A_477 : i32 to index
          %get3A_479 = arith.constant 64 : index
          %get3A_480 = tpu.vector_load %arg18[%get3A_478, %get3A_479] {strides = array<i32>} : memref<80x128xf32, #tpu.memory_space<vmem>>, vector<1x16xf32>,
          %get3A_481 = vector.shape_cast %get3A_480 : vector<1x16xf32> to vector<16xf32>
          %add3A_482 = arith.addf %add3A_475, %get3A_481 : vector<16xf32>
          %get3A_483 = arith.index_cast %add3A_422 : i32 to index
          %get3A_484 = arith.constant 80 : index
          %get3A_485 = tpu.vector_load %arg18[%get3A_483, %get3A_484] {strides = array<i32>} : memref<80x128xf32, #tpu.memory_space<vmem>>, vector<1x16xf32>,
          %get3A_486 = vector.shape_cast %get3A_485 : vector<1x16xf32> to vector<16xf32>
          %add3A_487 = arith.addf %scan3A_417, %get3A_486 : vector<16xf32>
          %add3A_488 = arith.constant 1 : i32
          %add3A_489 = arith.addi %add3A_422, %add3A_488 : i32
          %get3A_490 = arith.index_cast %add3A_489 : i32 to index
          %get3A_491 = arith.constant 80 : index
          %get3A_492 = tpu.vector_load %arg18[%get3A_490, %get3A_491] {strides = array<i32>} : memref<80x128xf32, #tpu.memory_space<vmem>>, vector<1x16xf32>,
          %get3A_493 = vector.shape_cast %get3A_492 : vector<1x16xf32> to vector<16xf32>
          %add3A_494 = arith.addf %add3A_487, %get3A_493 : vector<16xf32>
          %get3A_495 = arith.index_cast %add3A_422 : i32 to index
          %get3A_496 = arith.constant 96 : index
          %get3A_497 = tpu.vector_load %arg18[%get3A_495, %get3A_496] {strides = array<i32>} : memref<80x128xf32, #tpu.memory_space<vmem>>, vector<1x16xf32>,
          %get3A_498 = vector.shape_cast %get3A_497 : vector<1x16xf32> to vector<16xf32>
          %add3A_499 = arith.addf %scan3A_418, %get3A_498 : vector<16xf32>
          %add3A_500 = arith.constant 1 : i32
          %add3A_501 = arith.addi %add3A_422, %add3A_500 : i32
          %get3A_502 = arith.index_cast %add3A_501 : i32 to index
          %get3A_503 = arith.constant 96 : index
          %get3A_504 = tpu.vector_load %arg18[%get3A_502, %get3A_503] {strides = array<i32>} : memref<80x128xf32, #tpu.memory_space<vmem>>, vector<1x16xf32>,
          %get3A_505 = vector.shape_cast %get3A_504 : vector<1x16xf32> to vector<16xf32>
          %add3A_506 = arith.addf %add3A_499, %get3A_505 : vector<16xf32>
          %get3A_507 = arith.index_cast %add3A_422 : i32 to index
          %get3A_508 = arith.constant 112 : index
          %get3A_509 = tpu.vector_load %arg18[%get3A_507, %get3A_508] {strides = array<i32>} : memref<80x128xf32, #tpu.memory_space<vmem>>, vector<1x16xf32>,
          %get3A_510 = vector.shape_cast %get3A_509 : vector<1x16xf32> to vector<16xf32>
          %add3A_511 = arith.addf %scan3A_419, %get3A_510 : vector<16xf32>
          %add3A_512 = arith.constant 1 : i32
          %add3A_513 = arith.addi %add3A_422, %add3A_512 : i32
          %get3A_514 = arith.index_cast %add3A_513 : i32 to index
          %get3A_515 = arith.constant 112 : index
          %get3A_516 = tpu.vector_load %arg18[%get3A_514, %get3A_515] {strides = array<i32>} : memref<80x128xf32, #tpu.memory_space<vmem>>, vector<1x16xf32>,
          %get3A_517 = vector.shape_cast %get3A_516 : vector<1x16xf32> to vector<16xf32>
          %add3A_518 = arith.addf %add3A_511, %get3A_517 : vector<16xf32>
          scf.yield %add3A_434, %add3A_446, %add3A_458, %add3A_470, %add3A_482, %add3A_494, %add3A_506, %add3A_518 : vector<16xf32>, vector<16xf32>, vector<16xf32>, vector<16xf32>, vector<16xf32>, vector<16xf32>, vector<16xf32>, vector<16xf32>
        }
        %scan3A_363 = arith.constant 9 : i32
        %add3A_364 = arith.addi %sub3A_241, %scan3A_268 : i32
        %swap3A = arith.index_cast %add3A_364 : i32 to index
        %swap3A_365 = arith.constant 0 : index
        %swap3A_366 = tpu.vector_load %arg19[%swap3A, %swap3A_365] {strides = array<i32>} : memref<128x128xf32, #tpu.memory_space<vmem>>, vector<1x16xf32>,
        %swap3A_367 = vector.shape_cast %swap3A_366 : vector<1x16xf32> to vector<16xf32>
        %swap3A_368 = vector.shape_cast %scan3A_362#0 : vector<16xf32> to vector<1x16xf32>
        tpu.vector_store %arg19[%swap3A, %swap3A_365], %swap3A_368 {strides = array<i32>} : memref<128x128xf32, #tpu.memory_space<vmem>>, vector<1x16xf32>,
        %add3A_369 = arith.addi %sub3A_241, %scan3A_268 : i32
        %swap3A_370 = arith.index_cast %add3A_369 : i32 to index
        %swap3A_371 = arith.constant 16 : index
        %swap3A_372 = tpu.vector_load %arg19[%swap3A_370, %swap3A_371] {strides = array<i32>} : memref<128x128xf32, #tpu.memory_space<vmem>>, vector<1x16xf32>,
        %swap3A_373 = vector.shape_cast %swap3A_372 : vector<1x16xf32> to vector<16xf32>
        %swap3A_374 = vector.shape_cast %scan3A_362#1 : vector<16xf32> to vector<1x16xf32>
        tpu.vector_store %arg19[%swap3A_370, %swap3A_371], %swap3A_374 {strides = array<i32>} : memref<128x128xf32, #tpu.memory_space<vmem>>, vector<1x16xf32>,
        %add3A_375 = arith.addi %sub3A_241, %scan3A_268 : i32
        %swap3A_376 = arith.index_cast %add3A_375 : i32 to index
        %swap3A_377 = arith.constant 32 : index
        %swap3A_378 = tpu.vector_load %arg19[%swap3A_376, %swap3A_377] {strides = array<i32>} : memref<128x128xf32, #tpu.memory_space<vmem>>, vector<1x16xf32>,
        %swap3A_379 = vector.shape_cast %swap3A_378 : vector<1x16xf32> to vector<16xf32>
        %swap3A_380 = vector.shape_cast %scan3A_362#2 : vector<16xf32> to vector<1x16xf32>
        tpu.vector_store %arg19[%swap3A_376, %swap3A_377], %swap3A_380 {strides = array<i32>} : memref<128x128xf32, #tpu.memory_space<vmem>>, vector<1x16xf32>,
        %add3A_381 = arith.addi %sub3A_241, %scan3A_268 : i32
        %swap3A_382 = arith.index_cast %add3A_381 : i32 to index
        %swap3A_383 = arith.constant 48 : index
        %swap3A_384 = tpu.vector_load %arg19[%swap3A_382, %swap3A_383] {strides = array<i32>} : memref<128x128xf32, #tpu.memory_space<vmem>>, vector<1x16xf32>,
        %swap3A_385 = vector.shape_cast %swap3A_384 : vector<1x16xf32> to vector<16xf32>
        %swap3A_386 = vector.shape_cast %scan3A_362#3 : vector<16xf32> to vector<1x16xf32>
        tpu.vector_store %arg19[%swap3A_382, %swap3A_383], %swap3A_386 {strides = array<i32>} : memref<128x128xf32, #tpu.memory_space<vmem>>, vector<1x16xf32>,
        %add3A_387 = arith.addi %sub3A_241, %scan3A_268 : i32
        %swap3A_388 = arith.index_cast %add3A_387 : i32 to index
        %swap3A_389 = arith.constant 64 : index
        %swap3A_390 = tpu.vector_load %arg19[%swap3A_388, %swap3A_389] {strides = array<i32>} : memref<128x128xf32, #tpu.memory_space<vmem>>, vector<1x16xf32>,
        %swap3A_391 = vector.shape_cast %swap3A_390 : vector<1x16xf32> to vector<16xf32>
        %swap3A_392 = vector.shape_cast %scan3A_362#4 : vector<16xf32> to vector<1x16xf32>
        tpu.vector_store %arg19[%swap3A_388, %swap3A_389], %swap3A_392 {strides = array<i32>} : memref<128x128xf32, #tpu.memory_space<vmem>>, vector<1x16xf32>,
        %add3A_393 = arith.addi %sub3A_241, %scan3A_268 : i32
        %swap3A_394 = arith.index_cast %add3A_393 : i32 to index
        %swap3A_395 = arith.constant 80 : index
        %swap3A_396 = tpu.vector_load %arg19[%swap3A_394, %swap3A_395] {strides = array<i32>} : memref<128x128xf32, #tpu.memory_space<vmem>>, vector<1x16xf32>,
        %swap3A_397 = vector.shape_cast %swap3A_396 : vector<1x16xf32> to vector<16xf32>
        %swap3A_398 = vector.shape_cast %scan3A_362#5 : vector<16xf32> to vector<1x16xf32>
        tpu.vector_store %arg19[%swap3A_394, %swap3A_395], %swap3A_398 {strides = array<i32>} : memref<128x128xf32, #tpu.memory_space<vmem>>, vector<1x16xf32>,
        %add3A_399 = arith.addi %sub3A_241, %scan3A_268 : i32
        %swap3A_400 = arith.index_cast %add3A_399 : i32 to index
        %swap3A_401 = arith.constant 96 : index
        %swap3A_402 = tpu.vector_load %arg19[%swap3A_400, %swap3A_401] {strides = array<i32>} : memref<128x128xf32, #tpu.memory_space<vmem>>, vector<1x16xf32>,
        %swap3A_403 = vector.shape_cast %swap3A_402 : vector<1x16xf32> to vector<16xf32>
        %swap3A_404 = vector.shape_cast %scan3A_362#6 : vector<16xf32> to vector<1x16xf32>
        tpu.vector_store %arg19[%swap3A_400, %swap3A_401], %swap3A_404 {strides = array<i32>} : memref<128x128xf32, #tpu.memory_space<vmem>>, vector<1x16xf32>,
        %add3A_405 = arith.addi %sub3A_241, %scan3A_268 : i32
        %swap3A_406 = arith.index_cast %add3A_405 : i32 to index
        %swap3A_407 = arith.constant 112 : index
        %swap3A_408 = tpu.vector_load %arg19[%swap3A_406, %swap3A_407] {strides = array<i32>} : memref<128x128xf32, #tpu.memory_space<vmem>>, vector<1x16xf32>,
        %swap3A_409 = vector.shape_cast %swap3A_408 : vector<1x16xf32> to vector<16xf32>
        %swap3A_410 = vector.shape_cast %scan3A_362#7 : vector<16xf32> to vector<1x16xf32>
        tpu.vector_store %arg19[%swap3A_406, %swap3A_407], %swap3A_410 {strides = array<i32>} : memref<128x128xf32, #tpu.memory_space<vmem>>, vector<1x16xf32>,
      }
      %scan3A_247 = arith.constant 4 : i32
      %add3A_248 = arith.constant 4 : i32
      %add3A_249 = arith.addi %add3A_228, %add3A_248 : i32
      %lt3A_250 = arith.constant 32 : i32
      %lt3A_251 = arith.cmpi slt, %add3A_249, %lt3A_250 : i32
      %convert_element_type3A_252 = arith.extui %lt3A_251 : i1 to i32
      %cond3A_253 = arith.constant 0 : i32
      %cond3A_254 = arith.cmpi ne, %convert_element_type3A_252, %cond3A_253 : i32
      scf.if %cond3A_254 {
        %mul3A_268 = arith.constant 80 : i32
        %mul3A_269 = arith.muli %add3A_249, %mul3A_268 : i32
        %dma_start3A_270 = tpu.memref_slice %arg13[%mul3A_269] : memref<2560xi32, #tpu.memory_space<vmem>> -> memref<80xi32, #tpu.memory_space<vmem>>
        %dma_start3A_271 = arith.constant 0 : i32
        %dma_start3A_272 = arith.constant 0 : i32
        %dma_start3A_273 = tpu.memref_slice %arg6[%dma_start3A_271, %dma_start3A_272] : memref<100000x128xf32, #tpu.memory_space<hbm>> -> memref<100000x128xf32, #tpu.memory_space<hbm>>
        tpu.enqueue_indirect_dma source(%dma_start3A_273 : memref<100000x128xf32, #tpu.memory_space<hbm>>) target(%arg18 : memref<80x128xf32, #tpu.memory_space<vmem>>) offsets(%dma_start3A_270 : memref<80xi32, #tpu.memory_space<vmem>>) semaphore(%arg24 : memref<!tpu.dma_semaphore, #tpu.memory_space<semaphore_mem>>)
      } else {
      }
      %ge3A_255 = arith.constant 32 : i32
      %ge3A_256 = arith.cmpi sge, %add3A_249, %ge3A_255 : i32
      %lt3A_257 = arith.constant 64 : i32
      %lt3A_258 = arith.cmpi slt, %add3A_249, %lt3A_257 : i32
      %and3A_259 = arith.andi %ge3A_256, %lt3A_258 : i1
      %convert_element_type3A_260 = arith.extui %and3A_259 : i1 to i32
      %cond3A_261 = arith.constant 0 : i32
      %cond3A_262 = arith.cmpi ne, %convert_element_type3A_260, %cond3A_261 : i32
      scf.if %cond3A_262 {
        %sub3A_268 = arith.constant 32 : i32
        %sub3A_269 = arith.subi %add3A_249, %sub3A_268 : i32
        %mul3A_270 = arith.constant 80 : i32
        %mul3A_271 = arith.muli %sub3A_269, %mul3A_270 : i32
        %dma_start3A_272 = tpu.memref_slice %arg14[%mul3A_271] : memref<2560xi32, #tpu.memory_space<vmem>> -> memref<80xi32, #tpu.memory_space<vmem>>
        %dma_start3A_273 = arith.constant 0 : i32
        %dma_start3A_274 = arith.constant 0 : i32
        %dma_start3A_275 = tpu.memref_slice %arg5[%dma_start3A_273, %dma_start3A_274] : memref<100000x128xf32, #tpu.memory_space<hbm>> -> memref<100000x128xf32, #tpu.memory_space<hbm>>
        tpu.enqueue_indirect_dma source(%dma_start3A_275 : memref<100000x128xf32, #tpu.memory_space<hbm>>) target(%arg18 : memref<80x128xf32, #tpu.memory_space<vmem>>) offsets(%dma_start3A_272 : memref<80xi32, #tpu.memory_space<vmem>>) semaphore(%arg24 : memref<!tpu.dma_semaphore, #tpu.memory_space<semaphore_mem>>)
      } else {
      }
      %eq3A_263 = arith.constant 31 : i32
      %eq3A_264 = arith.cmpi eq, %add3A_228, %eq3A_263 : i32
      %convert_element_type3A_265 = arith.extui %eq3A_264 : i1 to i32
      %cond3A_266 = arith.constant 0 : i32
      %cond3A_267 = arith.cmpi ne, %convert_element_type3A_265, %cond3A_266 : i32
      scf.if %cond3A_267 {
        "tpu.region"() ({
          %run_scoped3A = tpu.sem_alloc : memref<!tpu.dma_semaphore, #tpu.memory_space<semaphore_mem>>
          %dma_start3A_268 = arith.constant 0 : i32
          %dma_start3A_269 = tpu.memref_slice %arg9[%mul3A_2, %dma_start3A_268] : memref<4096x128xf32, #tpu.memory_space<hbm>> -> memref<128x128xf32, #tpu.memory_space<hbm>>
          %dma_start3A_270 = arith.constant 0 : i32
          %dma_start3A_271 = tpu.memref_slice %arg9[%mul3A_2, %dma_start3A_270] : memref<4096x128xf32, #tpu.memory_space<hbm>> -> memref<128x128xf32, #tpu.memory_space<hbm>>
          tpu.enqueue_dma source(%arg19 : memref<128x128xf32, #tpu.memory_space<vmem>>) target(%dma_start3A_271 : memref<128x128xf32, #tpu.memory_space<hbm>>) target_semaphore(%run_scoped3A : memref<!tpu.dma_semaphore, #tpu.memory_space<semaphore_mem>>)
          %dma_wait3A_272 = arith.constant 0 : i32
          %dma_wait3A_273 = tpu.memref_slice %arg9[%mul3A_2, %dma_wait3A_272] : memref<4096x128xf32, #tpu.memory_space<hbm>> -> memref<128x128xf32, #tpu.memory_space<hbm>>
          %dma_wait3A_274 = arith.constant 0 : i32
          %dma_wait3A_275 = tpu.memref_slice %arg9[%mul3A_2, %dma_wait3A_274] : memref<4096x128xf32, #tpu.memory_space<hbm>> -> memref<128x128xf32, #tpu.memory_space<hbm>>
          tpu.wait_dma2 semaphore(%run_scoped3A : memref<!tpu.dma_semaphore, #tpu.memory_space<semaphore_mem>>) src(%arg19 : memref<128x128xf32, #tpu.memory_space<vmem>>) dst(%dma_wait3A_275 : memref<128x128xf32, #tpu.memory_space<hbm>>)
          tpu.yield
        }) : () -> ()
      } else {
      }
    }
    %scan3A_83 = arith.constant 16 : i32
    "tpu.region"() ({
      %run_scoped3A = tpu.sem_alloc : memref<!tpu.dma_semaphore, #tpu.memory_space<semaphore_mem>>
      %dma_start3A_104 = arith.constant 0 : i32
      %dma_start3A_105 = tpu.memref_slice %arg10[%mul3A_2, %dma_start3A_104] : memref<4096x128xf32, #tpu.memory_space<hbm>> -> memref<128x128xf32, #tpu.memory_space<hbm>>
      %dma_start3A_106 = arith.constant 0 : i32
      %dma_start3A_107 = tpu.memref_slice %arg10[%mul3A_2, %dma_start3A_106] : memref<4096x128xf32, #tpu.memory_space<hbm>> -> memref<128x128xf32, #tpu.memory_space<hbm>>
      tpu.enqueue_dma source(%arg19 : memref<128x128xf32, #tpu.memory_space<vmem>>) target(%dma_start3A_107 : memref<128x128xf32, #tpu.memory_space<hbm>>) target_semaphore(%run_scoped3A : memref<!tpu.dma_semaphore, #tpu.memory_space<semaphore_mem>>)
      %dma_wait3A_108 = arith.constant 0 : i32
      %dma_wait3A_109 = tpu.memref_slice %arg10[%mul3A_2, %dma_wait3A_108] : memref<4096x128xf32, #tpu.memory_space<hbm>> -> memref<128x128xf32, #tpu.memory_space<hbm>>
      %dma_wait3A_110 = arith.constant 0 : i32
      %dma_wait3A_111 = tpu.memref_slice %arg10[%mul3A_2, %dma_wait3A_110] : memref<4096x128xf32, #tpu.memory_space<hbm>> -> memref<128x128xf32, #tpu.memory_space<hbm>>
      tpu.wait_dma2 semaphore(%run_scoped3A : memref<!tpu.dma_semaphore, #tpu.memory_space<semaphore_mem>>) src(%arg19 : memref<128x128xf32, #tpu.memory_space<vmem>>) dst(%dma_wait3A_111 : memref<128x128xf32, #tpu.memory_space<hbm>>)
      tpu.yield
    }) : () -> ()
    %dma_wait3A_84 = arith.constant 0 : i32
    %dma_wait3A_85 = arith.constant 0 : i32
    %dma_wait3A_86 = tpu.memref_slice %arg20[%dma_wait3A_84, %dma_wait3A_85] : memref<256x128xf32, #tpu.memory_space<vmem>> -> memref<128x128xf32, #tpu.memory_space<vmem>>
    %dma_wait3A_87 = arith.constant 0 : i32
    %dma_wait3A_88 = tpu.memref_slice %arg7[%mul3A_2, %dma_wait3A_87] : memref<4096x128xf32, #tpu.memory_space<hbm>> -> memref<128x128xf32, #tpu.memory_space<hbm>>
    %dma_wait3A_89 = arith.constant 0 : i32
    %dma_wait3A_90 = tpu.memref_slice %arg7[%mul3A_2, %dma_wait3A_89] : memref<4096x128xf32, #tpu.memory_space<hbm>> -> memref<128x128xf32, #tpu.memory_space<hbm>>
    %dma_wait3A_91 = arith.constant 0 : i32
    %dma_wait3A_92 = arith.constant 0 : i32
    %dma_wait3A_93 = tpu.memref_slice %arg20[%dma_wait3A_91, %dma_wait3A_92] : memref<256x128xf32, #tpu.memory_space<vmem>> -> memref<128x128xf32, #tpu.memory_space<vmem>>
    tpu.wait_dma2 semaphore(%arg25 : memref<!tpu.dma_semaphore, #tpu.memory_space<semaphore_mem>>) src(%dma_wait3A_93 : memref<128x128xf32, #tpu.memory_space<vmem>>) dst(%dma_wait3A_90 : memref<128x128xf32, #tpu.memory_space<hbm>>)
    %dma_wait3A_94 = arith.constant 128 : i32
    %dma_wait3A_95 = arith.constant 0 : i32
    %dma_wait3A_96 = tpu.memref_slice %arg20[%dma_wait3A_94, %dma_wait3A_95] : memref<256x128xf32, #tpu.memory_space<vmem>> -> memref<128x128xf32, #tpu.memory_space<vmem>>
    %dma_wait3A_97 = arith.constant 0 : i32
    %dma_wait3A_98 = tpu.memref_slice %arg8[%mul3A_2, %dma_wait3A_97] : memref<4096x128xf32, #tpu.memory_space<hbm>> -> memref<128x128xf32, #tpu.memory_space<hbm>>
    %dma_wait3A_99 = arith.constant 0 : i32
    %dma_wait3A_100 = tpu.memref_slice %arg8[%mul3A_2, %dma_wait3A_99] : memref<4096x128xf32, #tpu.memory_space<hbm>> -> memref<128x128xf32, #tpu.memory_space<hbm>>
    %dma_wait3A_101 = arith.constant 128 : i32
    %dma_wait3A_102 = arith.constant 0 : i32
    %dma_wait3A_103 = tpu.memref_slice %arg20[%dma_wait3A_101, %dma_wait3A_102] : memref<256x128xf32, #tpu.memory_space<vmem>> -> memref<128x128xf32, #tpu.memory_space<vmem>>
    tpu.wait_dma2 semaphore(%arg25 : memref<!tpu.dma_semaphore, #tpu.memory_space<semaphore_mem>>) src(%dma_wait3A_103 : memref<128x128xf32, #tpu.memory_space<vmem>>) dst(%dma_wait3A_100 : memref<128x128xf32, #tpu.memory_space<hbm>>)
    return
  }
}

module attributes {stable_mosaic.version = 14 : i64} {
  func.func @_tc_mlp_body(%arg0: i32, %arg1: memref<2048x128xf32, #tpu.memory_space<vmem>>, %arg2: memref<2048x128xf32, #tpu.memory_space<vmem>>, %arg3: memref<2048x128xf32, #tpu.memory_space<vmem>>, %arg4: memref<2048x128xf32, #tpu.memory_space<vmem>>, %arg5: memref<1x1x2048xi32, #tpu.memory_space<vmem>>, %arg6: memref<1x1x2048xi32, #tpu.memory_space<vmem>>, %arg7: memref<1x1x2048xi32, #tpu.memory_space<vmem>>, %arg8: memref<512x128xf32, #tpu.memory_space<vmem>>, %arg9: memref<2x128xf32, #tpu.memory_space<vmem>>, %arg10: memref<7x128xf32, #tpu.memory_space<vmem>>, %arg11: memref<21x128xf32, #tpu.memory_space<vmem>>, %arg12: memref<256x128xf32, #tpu.memory_space<vmem>>, %arg13: memref<256x128xf32, #tpu.memory_space<vmem>>, %arg14: memref<1x128xf32, #tpu.memory_space<vmem>>, %arg15: memref<1x128xf32, #tpu.memory_space<vmem>>, %arg16: memref<1x128xf32, #tpu.memory_space<vmem>>, %arg17: memref<8x128xf32, #tpu.memory_space<vmem>>, %arg18: memref<8x1xf32, #tpu.memory_space<vmem>>, %arg19: memref<8x1xf32, #tpu.memory_space<vmem>>, %arg20: memref<1x1xf32, #tpu.memory_space<vmem>>, %arg21: memref<2048xf32, #tpu.memory_space<vmem>>) attributes {dimension_semantics = [#tpu.dimension_semantics<arbitrary>], iteration_bounds = array<i64: 2>, scalar_prefetch = 0 : i64, scratch_operands = 0 : i64, tpu.core_type = #tpu.core_type<tc>, window_params = [{transform_indices = @transform_0, window_bounds = array<i64: 2048, 128>}, {transform_indices = @transform_1, window_bounds = array<i64: 2048, 128>}, {transform_indices = @transform_2, window_bounds = array<i64: 2048, 128>}, {transform_indices = @transform_3, window_bounds = array<i64: 2048, 128>}, {transform_indices = @transform_4, window_bounds = array<i64: 1, 1, 2048>}, {transform_indices = @transform_5, window_bounds = array<i64: 1, 1, 2048>}, {transform_indices = @transform_6, window_bounds = array<i64: 1, 1, 2048>}, {pipeline_mode = #tpu.pipeline_mode<synchronous>, transform_indices = @transform_7, window_bounds = array<i64: 512, 128>}, {pipeline_mode = #tpu.pipeline_mode<synchronous>, transform_indices = @transform_8, window_bounds = array<i64: 2, 128>}, {pipeline_mode = #tpu.pipeline_mode<synchronous>, transform_indices = @transform_9, window_bounds = array<i64: 7, 128>}, {pipeline_mode = #tpu.pipeline_mode<synchronous>, transform_indices = @transform_10, window_bounds = array<i64: 21, 128>}, {pipeline_mode = #tpu.pipeline_mode<synchronous>, transform_indices = @transform_11, window_bounds = array<i64: 256, 128>}, {pipeline_mode = #tpu.pipeline_mode<synchronous>, transform_indices = @transform_12, window_bounds = array<i64: 256, 128>}, {pipeline_mode = #tpu.pipeline_mode<synchronous>, transform_indices = @transform_13, window_bounds = array<i64: 1, 128>}, {pipeline_mode = #tpu.pipeline_mode<synchronous>, transform_indices = @transform_14, window_bounds = array<i64: 1, 128>}, {pipeline_mode = #tpu.pipeline_mode<synchronous>, transform_indices = @transform_15, window_bounds = array<i64: 1, 128>}, {pipeline_mode = #tpu.pipeline_mode<synchronous>, transform_indices = @transform_16, window_bounds = array<i64: 8, 128>}, {pipeline_mode = #tpu.pipeline_mode<synchronous>, transform_indices = @transform_17, window_bounds = array<i64: 8, 1>}, {pipeline_mode = #tpu.pipeline_mode<synchronous>, transform_indices = @transform_18, window_bounds = array<i64: 8, 1>}, {pipeline_mode = #tpu.pipeline_mode<synchronous>, transform_indices = @transform_19, window_bounds = array<i64: 1, 1>}, {transform_indices = @transform_20, window_bounds = array<i64: 2048>}]} {
    %get3A = arith.constant 0 : index
    %get3A_0 = arith.constant 0 : index
    %get3A_1 = vector.load %arg8[%get3A, %get3A_0] : memref<512x128xf32, #tpu.memory_space<vmem>>, vector<128x128xf32>
    %get3A_2 = arith.constant 0 : index
    %get3A_3 = arith.constant 0 : index
    %get3A_4 = vector.load %arg11[%get3A_2, %get3A_3] : memref<21x128xf32, #tpu.memory_space<vmem>>, vector<21x128xf32>
    %get3A_5 = arith.constant 128 : index
    %get3A_6 = arith.constant 0 : index
    %get3A_7 = vector.load %arg8[%get3A_5, %get3A_6] : memref<512x128xf32, #tpu.memory_space<vmem>>, vector<128x128xf32>
    %dot_general3A = arith.constant dense<0.000000e+00> : vector<21x128xf32>
    %dot_general3A_8 = tpu.matmul %get3A_4, %get3A_7, %dot_general3A {dimension_numbers = #tpu.dot_dimension_numbers<[1], [0], [0], [1], [0, 0, 1, 1], [], []>, transpose_lhs_hint = false} : vector<21x128xf32>, vector<128x128xf32>, vector<21x128xf32> -> vector<21x128xf32>
    %get3A_9 = arith.constant 0 : index
    %get3A_10 = arith.constant 0 : index
    %get3A_11 = vector.load %arg10[%get3A_9, %get3A_10] : memref<7x128xf32, #tpu.memory_space<vmem>>, vector<7x128xf32>
    %get3A_12 = arith.constant 256 : index
    %get3A_13 = arith.constant 0 : index
    %get3A_14 = vector.load %arg8[%get3A_12, %get3A_13] : memref<512x128xf32, #tpu.memory_space<vmem>>, vector<128x128xf32>
    %dot_general3A_15 = arith.constant dense<0.000000e+00> : vector<7x128xf32>
    %dot_general3A_16 = tpu.matmul %get3A_11, %get3A_14, %dot_general3A_15 {dimension_numbers = #tpu.dot_dimension_numbers<[1], [0], [0], [1], [0, 0, 1, 1], [], []>, transpose_lhs_hint = false} : vector<7x128xf32>, vector<128x128xf32>, vector<7x128xf32> -> vector<7x128xf32>
    %get3A_17 = arith.constant 0 : index
    %get3A_18 = arith.constant 0 : index
    %get3A_19 = vector.load %arg9[%get3A_17, %get3A_18] : memref<2x128xf32, #tpu.memory_space<vmem>>, vector<2x128xf32>
    %get3A_20 = arith.constant 384 : index
    %get3A_21 = arith.constant 0 : index
    %get3A_22 = vector.load %arg8[%get3A_20, %get3A_21] : memref<512x128xf32, #tpu.memory_space<vmem>>, vector<128x128xf32>
    %dot_general3A_23 = arith.constant dense<0.000000e+00> : vector<2x128xf32>
    %dot_general3A_24 = tpu.matmul %get3A_19, %get3A_22, %dot_general3A_23 {dimension_numbers = #tpu.dot_dimension_numbers<[1], [0], [0], [1], [0, 0, 1, 1], [], []>, transpose_lhs_hint = false} : vector<2x128xf32>, vector<128x128xf32>, vector<2x128xf32> -> vector<2x128xf32>
    %broadcast_in_dim3A = arith.constant 0.000000e+00 : f32
    %broadcast_in_dim3A_25 = vector.broadcast %broadcast_in_dim3A : f32 to vector<2x128xf32>
    %concatenate3A = tpu.concatenate %dot_general3A_8, %dot_general3A_16, %dot_general3A_24, %broadcast_in_dim3A_25 in 0 : vector<21x128xf32>, vector<7x128xf32>, vector<2x128xf32>, vector<2x128xf32> -> vector<32x128xf32>
    %get3A_26 = arith.constant 0 : index
    %get3A_27 = arith.constant 0 : index
    %get3A_28 = arith.constant 0 : index
    %get3A_29 = vector.load %arg5[%get3A_26, %get3A_27, %get3A_28] : memref<1x1x2048xi32, #tpu.memory_space<vmem>>, vector<1x1x2048xi32>
    %get3A_30 = vector.shape_cast %get3A_29 : vector<1x1x2048xi32> to vector<1x2048xi32>
    %reshape3A = vector.shape_cast %get3A_30 : vector<1x2048xi32> to vector<2048x1xi32>
    %get3A_31 = arith.constant 0 : index
    %get3A_32 = arith.constant 0 : index
    %get3A_33 = arith.constant 0 : index
    %get3A_34 = vector.load %arg6[%get3A_31, %get3A_32, %get3A_33] : memref<1x1x2048xi32, #tpu.memory_space<vmem>>, vector<1x1x2048xi32>
    %get3A_35 = vector.shape_cast %get3A_34 : vector<1x1x2048xi32> to vector<1x2048xi32>
    %reshape3A_36 = vector.shape_cast %get3A_35 : vector<1x2048xi32> to vector<2048x1xi32>
    %get3A_37 = arith.constant 0 : index
    %get3A_38 = arith.constant 0 : index
    %get3A_39 = arith.constant 0 : index
    %get3A_40 = vector.load %arg7[%get3A_37, %get3A_38, %get3A_39] : memref<1x1x2048xi32, #tpu.memory_space<vmem>>, vector<1x1x2048xi32>
    %get3A_41 = vector.shape_cast %get3A_40 : vector<1x1x2048xi32> to vector<1x2048xi32>
    %reshape3A_42 = vector.shape_cast %get3A_41 : vector<1x2048xi32> to vector<2048x1xi32>
    %iota3A = tpu.iota {dimensions = array<i32: 1>} : vector<2048x32xi32>
    %eq3A = vector.broadcast %reshape3A_42 : vector<2048x1xi32> to vector<2048x32xi32>
    %eq3A_43 = arith.cmpi eq, %iota3A, %eq3A : vector<2048x32xi32>
    %add3A = arith.constant 21 : i32
    %add3A_44 = vector.broadcast %add3A : i32 to vector<2048x1xi32>
    %add3A_45 = arith.addi %reshape3A_36, %add3A_44 : vector<2048x1xi32>
    %eq3A_46 = vector.broadcast %add3A_45 : vector<2048x1xi32> to vector<2048x32xi32>
    %eq3A_47 = arith.cmpi eq, %iota3A, %eq3A_46 : vector<2048x32xi32>
    %or3A = arith.ori %eq3A_43, %eq3A_47 : vector<2048x32xi1>
    %add3A_48 = arith.constant 28 : i32
    %add3A_49 = vector.broadcast %add3A_48 : i32 to vector<2048x1xi32>
    %add3A_50 = arith.addi %reshape3A, %add3A_49 : vector<2048x1xi32>
    %eq3A_51 = vector.broadcast %add3A_50 : vector<2048x1xi32> to vector<2048x32xi32>
    %eq3A_52 = arith.cmpi eq, %iota3A, %eq3A_51 : vector<2048x32xi32>
    %or3A_53 = arith.ori %or3A, %eq3A_52 : vector<2048x32xi1>
    %convert_element_type3A = arith.extui %or3A_53 : vector<2048x32xi1> to vector<2048x32xi32>
    %convert_element_type3A_54 = arith.sitofp %convert_element_type3A : vector<2048x32xi32> to vector<2048x32xf32>
    %get3A_55 = arith.constant 0 : index
    %get3A_56 = arith.constant 0 : index
    %get3A_57 = vector.load %arg12[%get3A_55, %get3A_56] : memref<256x128xf32, #tpu.memory_space<vmem>>, vector<128x128xf32>
    %get3A_58 = arith.constant 128 : index
    %get3A_59 = arith.constant 0 : index
    %get3A_60 = vector.load %arg12[%get3A_58, %get3A_59] : memref<256x128xf32, #tpu.memory_space<vmem>>, vector<128x128xf32>
    %mul3A = arith.constant 5.000000e-02 : f32
    %mul3A_61 = vector.broadcast %mul3A : f32 to vector<128x128xf32>
    %mul3A_62 = arith.mulf %get3A_60, %mul3A_61 : vector<128x128xf32>
    %dot_general3A_63 = arith.constant dense<0.000000e+00> : vector<128x128xf32>
    %dot_general3A_64 = tpu.matmul %get3A_1, %get3A_57, %dot_general3A_63 {dimension_numbers = #tpu.dot_dimension_numbers<[1], [0], [0], [1], [0, 0, 1, 1], [], []>, transpose_lhs_hint = false} : vector<128x128xf32>, vector<128x128xf32>, vector<128x128xf32> -> vector<128x128xf32>
    %dot_general3A_65 = arith.constant dense<0.000000e+00> : vector<32x128xf32>
    %dot_general3A_66 = tpu.matmul %concatenate3A, %get3A_57, %dot_general3A_65 {dimension_numbers = #tpu.dot_dimension_numbers<[1], [0], [0], [1], [0, 0, 1, 1], [], []>, transpose_lhs_hint = false} : vector<32x128xf32>, vector<128x128xf32>, vector<32x128xf32> -> vector<32x128xf32>
    %get3A_67 = arith.constant 0 : index
    %get3A_68 = arith.constant 0 : index
    %get3A_69 = vector.load %arg14[%get3A_67, %get3A_68] : memref<1x128xf32, #tpu.memory_space<vmem>>, vector<1x128xf32>
    %dot_general3A_70 = arith.constant dense<0.000000e+00> : vector<1x128xf32>
    %dot_general3A_71 = tpu.matmul %get3A_69, %get3A_57, %dot_general3A_70 {dimension_numbers = #tpu.dot_dimension_numbers<[1], [0], [0], [1], [0, 0, 1, 1], [], []>, transpose_lhs_hint = false} : vector<1x128xf32>, vector<128x128xf32>, vector<1x128xf32> -> vector<1x128xf32>
    %get3A_72 = arith.constant 0 : index
    %get3A_73 = arith.constant 0 : index
    %get3A_74 = vector.load %arg15[%get3A_72, %get3A_73] : memref<1x128xf32, #tpu.memory_space<vmem>>, vector<1x128xf32>
    %add3A_75 = arith.addf %dot_general3A_71, %get3A_74 : vector<1x128xf32>
    %get3A_76 = arith.constant 0 : index
    %get3A_77 = arith.constant 0 : index
    %get3A_78 = vector.load %arg1[%get3A_76, %get3A_77] : memref<2048x128xf32, #tpu.memory_space<vmem>>, vector<2048x128xf32>
    %dot_general3A_79 = arith.constant dense<0.000000e+00> : vector<2048x128xf32>
    %dot_general3A_80 = tpu.matmul %get3A_78, %dot_general3A_64, %dot_general3A_79 {dimension_numbers = #tpu.dot_dimension_numbers<[1], [0], [0], [1], [0, 0, 1, 1], [], []>, transpose_lhs_hint = false} : vector<2048x128xf32>, vector<128x128xf32>, vector<2048x128xf32> -> vector<2048x128xf32>
    %dot_general3A_81 = arith.constant dense<0.000000e+00> : vector<2048x128xf32>
    %dot_general3A_82 = tpu.matmul %convert_element_type3A_54, %dot_general3A_66, %dot_general3A_81 {dimension_numbers = #tpu.dot_dimension_numbers<[1], [0], [0], [1], [0, 0, 1, 1], [], []>, transpose_lhs_hint = false} : vector<2048x32xf32>, vector<32x128xf32>, vector<2048x128xf32> -> vector<2048x128xf32>
    %add3A_83 = arith.addf %dot_general3A_80, %dot_general3A_82 : vector<2048x128xf32>
    %get3A_84 = arith.constant 0 : index
    %get3A_85 = arith.constant 0 : index
    %get3A_86 = vector.load %arg3[%get3A_84, %get3A_85] : memref<2048x128xf32, #tpu.memory_space<vmem>>, vector<2048x128xf32>
    %dot_general3A_87 = arith.constant dense<0.000000e+00> : vector<2048x128xf32>
    %dot_general3A_88 = tpu.matmul %get3A_86, %mul3A_62, %dot_general3A_87 {dimension_numbers = #tpu.dot_dimension_numbers<[1], [0], [0], [1], [0, 0, 1, 1], [], []>, transpose_lhs_hint = false} : vector<2048x128xf32>, vector<128x128xf32>, vector<2048x128xf32> -> vector<2048x128xf32>
    %add3A_89 = arith.addf %add3A_83, %dot_general3A_88 : vector<2048x128xf32>
    %add3A_90 = vector.broadcast %add3A_75 : vector<1x128xf32> to vector<2048x128xf32>
    %add3A_91 = arith.addf %add3A_89, %add3A_90 : vector<2048x128xf32>
    %get3A_92 = arith.constant 0 : index
    %get3A_93 = arith.constant 0 : index
    %get3A_94 = vector.load %arg13[%get3A_92, %get3A_93] : memref<256x128xf32, #tpu.memory_space<vmem>>, vector<128x128xf32>
    %get3A_95 = arith.constant 128 : index
    %get3A_96 = arith.constant 0 : index
    %get3A_97 = vector.load %arg13[%get3A_95, %get3A_96] : memref<256x128xf32, #tpu.memory_space<vmem>>, vector<128x128xf32>
    %mul3A_98 = arith.constant 5.000000e-02 : f32
    %mul3A_99 = vector.broadcast %mul3A_98 : f32 to vector<128x128xf32>
    %mul3A_100 = arith.mulf %get3A_97, %mul3A_99 : vector<128x128xf32>
    %get3A_101 = arith.constant 0 : index
    %get3A_102 = arith.constant 0 : index
    %get3A_103 = vector.load %arg2[%get3A_101, %get3A_102] : memref<2048x128xf32, #tpu.memory_space<vmem>>, vector<2048x128xf32>
    %dot_general3A_104 = arith.constant dense<0.000000e+00> : vector<2048x128xf32>
    %dot_general3A_105 = tpu.matmul %get3A_103, %get3A_94, %dot_general3A_104 {dimension_numbers = #tpu.dot_dimension_numbers<[1], [0], [0], [1], [0, 0, 1, 1], [], []>, transpose_lhs_hint = false} : vector<2048x128xf32>, vector<128x128xf32>, vector<2048x128xf32> -> vector<2048x128xf32>
    %get3A_106 = arith.constant 0 : index
    %get3A_107 = arith.constant 0 : index
    %get3A_108 = vector.load %arg4[%get3A_106, %get3A_107] : memref<2048x128xf32, #tpu.memory_space<vmem>>, vector<2048x128xf32>
    %dot_general3A_109 = arith.constant dense<0.000000e+00> : vector<2048x128xf32>
    %dot_general3A_110 = tpu.matmul %get3A_108, %mul3A_100, %dot_general3A_109 {dimension_numbers = #tpu.dot_dimension_numbers<[1], [0], [0], [1], [0, 0, 1, 1], [], []>, transpose_lhs_hint = false} : vector<2048x128xf32>, vector<128x128xf32>, vector<2048x128xf32> -> vector<2048x128xf32>
    %add3A_111 = arith.addf %dot_general3A_105, %dot_general3A_110 : vector<2048x128xf32>
    %get3A_112 = arith.constant 0 : index
    %get3A_113 = arith.constant 0 : index
    %get3A_114 = vector.load %arg16[%get3A_112, %get3A_113] : memref<1x128xf32, #tpu.memory_space<vmem>>, vector<1x128xf32>
    %add3A_115 = vector.broadcast %get3A_114 : vector<1x128xf32> to vector<2048x128xf32>
    %add3A_116 = arith.addf %add3A_111, %add3A_115 : vector<2048x128xf32>
    %get3A_117 = arith.constant 0 : index
    %get3A_118 = arith.constant 0 : index
    %get3A_119 = vector.load %arg17[%get3A_117, %get3A_118] : memref<8x128xf32, #tpu.memory_space<vmem>>, vector<8x128xf32>
    %get3A_120 = arith.constant 0 : index
    %get3A_121 = arith.constant 0 : index
    %get3A_122 = vector.load %arg18[%get3A_120, %get3A_121] : memref<8x1xf32, #tpu.memory_space<vmem>>, vector<8x1xf32>
    %mul3A_123 = vector.broadcast %get3A_122 : vector<8x1xf32> to vector<8x128xf32>
    %mul3A_124 = arith.mulf %get3A_119, %mul3A_123 : vector<8x128xf32>
    %reduce_sum3A = arith.constant dense<0.000000e+00> : vector<128xf32>
    %reduce_sum3A_125 = vector.multi_reduction <add>, %mul3A_124, %reduce_sum3A [0] : vector<8x128xf32> to vector<128xf32>
    %get3A_126 = arith.constant 0 : index
    %get3A_127 = arith.constant 0 : index
    %get3A_128 = vector.load %arg19[%get3A_126, %get3A_127] : memref<8x1xf32, #tpu.memory_space<vmem>>, vector<8x1xf32>
    %get3A_129 = arith.constant 0 : index
    %get3A_130 = arith.constant 0 : index
    %get3A_131 = vector.load %arg18[%get3A_129, %get3A_130] : memref<8x1xf32, #tpu.memory_space<vmem>>, vector<8x1xf32>
    %mul3A_132 = arith.mulf %get3A_128, %get3A_131 : vector<8x1xf32>
    %reduce_sum3A_133 = vector.shape_cast %mul3A_132 : vector<8x1xf32> to vector<1x8x1xf32>
    %reduce_sum3A_134 = arith.constant dense<0.000000e+00> : vector<1xf32>
    %reduce_sum3A_135 = vector.multi_reduction <add>, %reduce_sum3A_133, %reduce_sum3A_134 [1, 2] : vector<1x8x1xf32> to vector<1xf32>
    %reduce_sum3A_136 = vector.shape_cast %reduce_sum3A_135 : vector<1xf32> to vector<1x1x1xf32>
    %reduce_sum3A_137 = vector.extract %reduce_sum3A_136[0, 0, 0] : f32 from vector<1x1x1xf32>
    %get3A_138 = arith.constant 0 : index
    %get3A_139 = arith.constant 0 : index
    %get3A_140 = vector.load %arg20[%get3A_138, %get3A_139] : memref<1x1xf32, #tpu.memory_space<vmem>>, vector<1x1xf32>
    %get3A_141 = vector.extract %get3A_140[0, 0] : f32 from vector<1x1xf32>
    %add3A_142 = arith.addf %reduce_sum3A_137, %get3A_141 : f32
    %mul3A_143 = arith.mulf %add3A_91, %add3A_116 : vector<2048x128xf32>
    %broadcast_in_dim3A_144 = vector.shape_cast %reduce_sum3A_125 : vector<128xf32> to vector<1x128xf32>
    %mul3A_145 = vector.broadcast %broadcast_in_dim3A_144 : vector<1x128xf32> to vector<2048x128xf32>
    %mul3A_146 = arith.mulf %mul3A_143, %mul3A_145 : vector<2048x128xf32>
    %reduce_sum3A_147 = arith.constant dense<0.000000e+00> : vector<2048xf32>
    %reduce_sum3A_148 = vector.multi_reduction <add>, %mul3A_146, %reduce_sum3A_147 [1] : vector<2048x128xf32> to vector<2048xf32>
    %add3A_149 = vector.broadcast %add3A_142 : f32 to vector<2048xf32>
    %add3A_150 = arith.addf %reduce_sum3A_148, %add3A_149 : vector<2048xf32>
    %swap3A = arith.constant 0 : index
    %swap3A_151 = vector.load %arg21[%swap3A] : memref<2048xf32, #tpu.memory_space<vmem>>, vector<2048xf32>
    tpu.vector_store %arg21[%swap3A], %add3A_150 {strides = array<i32>} : memref<2048xf32, #tpu.memory_space<vmem>>, vector<2048xf32>,
    return
  }
  func.func @transform_0(%arg0: i32) -> (i32, i32) {
    %c0_i32 = arith.constant 0 : i32
    %c0_i32_0 = arith.constant 0 : i32
    return %arg0, %c0_i32 : i32, i32
  }
  func.func @transform_1(%arg0: i32) -> (i32, i32) {
    %c0_i32 = arith.constant 0 : i32
    %c0_i32_0 = arith.constant 0 : i32
    return %arg0, %c0_i32 : i32, i32
  }
  func.func @transform_2(%arg0: i32) -> (i32, i32) {
    %c0_i32 = arith.constant 0 : i32
    %c0_i32_0 = arith.constant 0 : i32
    return %arg0, %c0_i32 : i32, i32
  }
  func.func @transform_3(%arg0: i32) -> (i32, i32) {
    %c0_i32 = arith.constant 0 : i32
    %c0_i32_0 = arith.constant 0 : i32
    return %arg0, %c0_i32 : i32, i32
  }
  func.func @transform_4(%arg0: i32) -> (i32, i32, i32) {
    %c0_i32 = arith.constant 0 : i32
    %c0_i32_0 = arith.constant 0 : i32
    %c0_i32_1 = arith.constant 0 : i32
    return %arg0, %c0_i32, %c0_i32_0 : i32, i32, i32
  }
  func.func @transform_5(%arg0: i32) -> (i32, i32, i32) {
    %c0_i32 = arith.constant 0 : i32
    %c0_i32_0 = arith.constant 0 : i32
    %c0_i32_1 = arith.constant 0 : i32
    return %arg0, %c0_i32, %c0_i32_0 : i32, i32, i32
  }
  func.func @transform_6(%arg0: i32) -> (i32, i32, i32) {
    %c0_i32 = arith.constant 0 : i32
    %c0_i32_0 = arith.constant 0 : i32
    %c0_i32_1 = arith.constant 0 : i32
    return %arg0, %c0_i32, %c0_i32_0 : i32, i32, i32
  }
  func.func @transform_7(%arg0: i32) -> (i32, i32) {
    %c0_i32 = arith.constant 0 : i32
    %c0_i32_0 = arith.constant 0 : i32
    %c0_i32_1 = arith.constant 0 : i32
    return %c0_i32, %c0_i32_0 : i32, i32
  }
  func.func @transform_8(%arg0: i32) -> (i32, i32) {
    %c0_i32 = arith.constant 0 : i32
    %c0_i32_0 = arith.constant 0 : i32
    %c0_i32_1 = arith.constant 0 : i32
    return %c0_i32, %c0_i32_0 : i32, i32
  }
  func.func @transform_9(%arg0: i32) -> (i32, i32) {
    %c0_i32 = arith.constant 0 : i32
    %c0_i32_0 = arith.constant 0 : i32
    %c0_i32_1 = arith.constant 0 : i32
    return %c0_i32, %c0_i32_0 : i32, i32
  }
  func.func @transform_10(%arg0: i32) -> (i32, i32) {
    %c0_i32 = arith.constant 0 : i32
    %c0_i32_0 = arith.constant 0 : i32
    %c0_i32_1 = arith.constant 0 : i32
    return %c0_i32, %c0_i32_0 : i32, i32
  }
  func.func @transform_11(%arg0: i32) -> (i32, i32) {
    %c0_i32 = arith.constant 0 : i32
    %c0_i32_0 = arith.constant 0 : i32
    %c0_i32_1 = arith.constant 0 : i32
    return %c0_i32, %c0_i32_0 : i32, i32
  }
  func.func @transform_12(%arg0: i32) -> (i32, i32) {
    %c0_i32 = arith.constant 0 : i32
    %c0_i32_0 = arith.constant 0 : i32
    %c0_i32_1 = arith.constant 0 : i32
    return %c0_i32, %c0_i32_0 : i32, i32
  }
  func.func @transform_13(%arg0: i32) -> (i32, i32) {
    %c0_i32 = arith.constant 0 : i32
    %c0_i32_0 = arith.constant 0 : i32
    %c0_i32_1 = arith.constant 0 : i32
    return %c0_i32, %c0_i32_0 : i32, i32
  }
  func.func @transform_14(%arg0: i32) -> (i32, i32) {
    %c0_i32 = arith.constant 0 : i32
    %c0_i32_0 = arith.constant 0 : i32
    %c0_i32_1 = arith.constant 0 : i32
    return %c0_i32, %c0_i32_0 : i32, i32
  }
  func.func @transform_15(%arg0: i32) -> (i32, i32) {
    %c0_i32 = arith.constant 0 : i32
    %c0_i32_0 = arith.constant 0 : i32
    %c0_i32_1 = arith.constant 0 : i32
    return %c0_i32, %c0_i32_0 : i32, i32
  }
  func.func @transform_16(%arg0: i32) -> (i32, i32) {
    %c0_i32 = arith.constant 0 : i32
    %c0_i32_0 = arith.constant 0 : i32
    %c0_i32_1 = arith.constant 0 : i32
    return %c0_i32, %c0_i32_0 : i32, i32
  }
  func.func @transform_17(%arg0: i32) -> (i32, i32) {
    %c0_i32 = arith.constant 0 : i32
    %c0_i32_0 = arith.constant 0 : i32
    %c0_i32_1 = arith.constant 0 : i32
    return %c0_i32, %c0_i32_0 : i32, i32
  }
  func.func @transform_18(%arg0: i32) -> (i32, i32) {
    %c0_i32 = arith.constant 0 : i32
    %c0_i32_0 = arith.constant 0 : i32
    %c0_i32_1 = arith.constant 0 : i32
    return %c0_i32, %c0_i32_0 : i32, i32
  }
  func.func @transform_19(%arg0: i32) -> (i32, i32) {
    %c0_i32 = arith.constant 0 : i32
    %c0_i32_0 = arith.constant 0 : i32
    %c0_i32_1 = arith.constant 0 : i32
    return %c0_i32, %c0_i32_0 : i32, i32
  }
  func.func @transform_20(%arg0: i32) -> i32 {
    %c0_i32 = arith.constant 0 : i32
    return %arg0 : i32
  }
}

</mosaic_0001>

<sc_bundles>
// kernel: kernel.4.cloned.1.call-start
scs
__scs_entry_jumppad:
0x0: {  	(pc) =	sbr.rel $0x88, $3  }
0x1: {  	(tag) =	ssettag $0x0;
	lr =	simm.s32 $0x1  }
0x2: {  	[smem:$0x3F89] =	sst lr;
	_ =	strace $0xD0000000  }
0x3: {  	_ = 	snop  }
0x4: {  	_ = 	snop  }
0x5: {  	_ = 	snop  }
0x6: {  	_ = 	snop  }
0x7: {  	_ = 	snop  }
__scs_overlays_trampoline_lowered:
0x8: {  	[smem:$0x3F98] =	sst s0  }
0x9: {  	[smem:$0x3F99] =	sst s1  }
0xa: {  	[smem:$0x3F9A] =	sst s2  }
0xb: {  	[smem:$0x3F9B] =	sst s3  }
0xc: {  	[smem:$0x3F9C] =	sst s4  }
0xd: {  	[smem:$0x3F9D] =	sst s5  }
0xe: {  	[smem:$0x3F9E] =	sst s6  }
0xf: {  	[smem:$0x3F9F] =	sst s7  }
0x10: {  	[smem:$0x3FA0] =	sst s8  }
0x11: {  	[smem:$0x3FA1] =	sst s9;
	s0 =	simm.s32 @!p0 $0x0  }
0x12: {  	s1 =	sld [smem:$0x3F87];
	s0 =	simm.s32 @p0 $0x1  }
0x13: {  	[smem:$0x3FA2] =	sst s0;
	s0 =	simm.s32 @!p1 $0x0  }
0x14: {  	s2 =	sld [smem:$0x3F86];
	s0 =	simm.s32 @p1 $0x1  }
0x15: {  	[smem:$0x3FA3] =	sst s0;
	s0 =	simm.s32 @!p2 $0x0  }
0x16: {  	s3 =	sld [smem:$0x3FDB];
	s0 =	simm.s32 @p2 $0x1  }
0x17: {  	s4 =	simm.s32 $0x1BF5;
	[smem:$0x3FA5] =	sst s0  }
0x18: {  	s0 =	sld [smem:$0x3F88];
	_ =	swait.ge [sflag:s4], $0x0  }
0x19: {  	s7 =	sld [smem:$0x3F89]  }
0x1a: {  	s8 =	sadd.s32 $0xFFFFE003, lr  }
0x1b: {  	s9 =	sadd.s32 $0xFFFFFEF7, lr;
	s5 =	simm.s32 $0xFFFFFFFF;
	p2 =	slt.u32 s8, $0xFFFFF086  }
0x1c: {  	p1 =	slt.u32 s9, $0xF7A;
	s5 =	simm.s32 @!p2 $0x0  }
0x1d: {  	s5 =	simm.s32 @p1 $0x1;
	p0 =	seq.s32 s7, s2  }
0x1e: {  	s7 =	smul.u32 @!p0 $0xF7A, s2;
	p2 =	seq.s32 @!p0 s5, $0x0  }
0x1f: {  	s9 =	smul.u32 $0xF7A, s1;
	s8 =	simm.s32 @!p0 $0x1BF5;
	p2 =	por !p2, p0  }
0x20: {  	[sflag:s8] =	ssyncset.s32 @!p0 $0xFFFFF086;
	s6 =	sadd.s32 @!p0 s3, s7;
	s7 =	simm.s32 @!p0 $0x108  }
0x21: {  	s3 =	sadd.s32 s3, s9;
	s6 =	sadd.s32 @!p0 $0x88, s6;
	s7 =	simm.s32 @p2 $0x1082  }
0x22: {  	[simem:s7], [sflag:s8] =	dma.local @!p0 [hbm:s6], $0xF7A  }
0x23: {  	s9 =	sor.u32 $0xD0000000, s2;
	s6 =	simm.s32 $0x108;
	_ =	swait.ge @!p0 [sflag:s8], $0x0  }
0x24: {  	s3 =	sadd.s32 $0x88, s3;
	s6 =	simm.s32 @!p1 $0x1082;
	[sflag:s4] =	ssyncset.s32 $0xFFFFF086  }
0x25: {  	[simem:s6], [sflag:s4] =	dma.local [hbm:s3], $0xF7A  }
0x26: {  	[smem:$0x3F89] =	sst s1;
	(tag) =	ssettag s2;
	_ =	strace s9  }
0x27: {  	s1 =	sld [smem:$0x3F99]  }
0x28: {  	s2 =	sld [smem:$0x3F9A]  }
0x29: {  	s4 =	sld [smem:$0x3F9C]  }
0x2a: {  	p0 =	seq.s32 s5, $0x0;
	s5 =	sld [smem:$0x3F9D]  }
0x2b: {  	s6 =	sld [smem:$0x3F9E]  }
0x2c: {  	s7 =	sld [smem:$0x3F9F]  }
0x2d: {  	s3 =	simm.s32 $0x108;
	s8 =	sld [smem:$0x3FA0]  }
0x2e: {  	s3 =	simm.s32 @!p0 $0x1082;
	s9 =	sld [smem:$0x3FA1]  }
0x2f: {  	lr =	sadd.s32 s0, s3;
	s0 =	sld [smem:$0x3F98]  }
0x30: {  	s3 =	sld [smem:$0x3F9B]  }
0x31: {  	[smem:$0x3FA4] =	sst s10  }
0x32: {  	s10 =	sld [smem:$0x3FA2];
	_ =	sdelay $0x3  }
0x33: {  	p0 =	seq.s32 s10, $0x1;
	s10 =	sld [smem:$0x3FA4];
	_ =	sdelay $0x3  }
0x34: {  	[smem:$0x3FA4] =	sst s10  }
0x35: {  	s10 =	sld [smem:$0x3FA3];
	_ =	sdelay $0x3  }
0x36: {  	p1 =	seq.s32 s10, $0x1;
	s10 =	sld [smem:$0x3FA4];
	_ =	sdelay $0x3  }
0x37: {  	[smem:$0x3FA4] =	sst s10  }
0x38: {  	s10 =	sld [smem:$0x3FA5]  }
0x39: {  	_ = 	snop;
	(pc) =	sbr.ind lr, $3  }
0x3a: {  	_ = 	snop  }
0x3b: {  	_ = 	snop  }
0x3c: {  	p2 =	seq.s32 s10, $0x1;
	s10 =	sld [smem:$0x3FA4]  }
0x3d: {  	_ =	shalt  }
0x3e: {  	_ =	shalt  }
0x3f: {  	_ =	shalt  }
0x40: {  	_ =	shalt  }
0x41: {  	_ =	shalt  }
0x42: {  	_ =	shalt  }
0x43: {  	_ =	shalt  }
0x44: {  	_ =	shalt  }
0x45: {  	_ =	shalt  }
0x46: {  	_ =	shalt  }
0x47: {  	_ =	shalt  }
0x48: {  	_ =	shalt  }
0x49: {  	_ =	shalt  }
0x4a: {  	_ =	shalt  }
0x4b: {  	_ =	shalt  }
0x4c: {  	_ =	shalt  }
0x4d: {  	_ =	shalt  }
0x4e: {  	_ =	shalt  }
0x4f: {  	_ =	shalt  }
0x50: {  	_ =	shalt  }
0x51: {  	_ =	shalt  }
0x52: {  	_ =	shalt  }
0x53: {  	_ =	shalt  }
0x54: {  	_ =	shalt  }
0x55: {  	_ =	shalt  }
0x56: {  	_ =	shalt  }
0x57: {  	_ =	shalt  }
0x58: {  	_ =	shalt  }
0x59: {  	_ =	shalt  }
0x5a: {  	_ =	shalt  }
0x5b: {  	_ =	shalt  }
0x5c: {  	_ =	shalt  }
0x5d: {  	_ =	shalt  }
0x5e: {  	_ =	shalt  }
0x5f: {  	_ =	shalt  }
0x60: {  	_ =	shalt  }
0x61: {  	_ =	shalt  }
0x62: {  	_ =	shalt  }
0x63: {  	_ =	shalt  }
0x64: {  	_ =	shalt  }
0x65: {  	_ =	shalt  }
0x66: {  	_ =	shalt  }
0x67: {  	_ =	shalt  }
0x68: {  	_ =	shalt  }
0x69: {  	_ =	shalt  }
0x6a: {  	_ =	shalt  }
0x6b: {  	_ =	shalt  }
0x6c: {  	_ =	shalt  }
0x6d: {  	_ =	shalt  }
0x6e: {  	_ =	shalt  }
0x6f: {  	_ =	shalt  }
0x70: {  	_ =	shalt  }
0x71: {  	_ =	shalt  }
0x72: {  	_ =	shalt  }
0x73: {  	_ =	shalt  }
0x74: {  	_ =	shalt  }
0x75: {  	_ =	shalt  }
0x76: {  	_ =	shalt  }
0x77: {  	_ =	shalt  }
0x78: {  	_ =	shalt  }
0x79: {  	_ =	shalt  }
0x7a: {  	_ =	shalt  }
0x7b: {  	_ =	shalt  }
0x7c: {  	_ =	shalt  }
0x7d: {  	_ =	shalt  }
0x7e: {  	_ =	shalt  }
0x7f: {  	_ =	shalt  }
0x80: {  	_ =	shalt  }
0x81: {  	_ =	shalt  }
0x82: {  	_ =	shalt  }
0x83: {  	_ =	shalt  }
0x84: {  	_ =	shalt  }
0x85: {  	_ =	shalt  }
0x86: {  	_ =	shalt  }
0x87: {  	_ =	shalt  }
.Lfunc_end0:
.L_simem_size_0:
called_computation_lowered:
.L_overlay_start_0:
0x88: {  	s2 =	sld [smem:$0x3FD9]  }
0x89: {  	s3 =	sld [smem:$0x3FFE];
	_ =	sdelay $0x1  }
0x8a: {  	s1 =	srdreg.scid  }
0x8b: {  	s0 =	sand.u32 $0x1, s1  }
0x8c: {  	s17 =	sshll.u32 s0, $0xA;
	s2 =	sadd.s32 s3, s2  }
0x8d: {  	s2 =	sadd.s32 s2, s17  }
0x8e: {  	[smem:$0x3FB0] =	sst s2  }
0x8f: {  	_ = 	snop  }
0x90: {  	s2 =	sld [smem:$0x3FC2]  }
0x91: {  	s18 =	sld [smem:$0x3FC1]  }
0x92: {  	s4 =	sld [smem:$0x3FC0]  }
0x93: {  	s5 =	sld [smem:$0x3FBF];
	(tm) =	ssettm $0x1  }
0x94: {  	s6 =	sld [smem:$0x3FFB];
	_ =	sdelay $0x3  }
0x95: {  	_ =	strace s6  }
0x96: {  	s6 =	sld [smem:$0x3FFC];
	_ =	sdelay $0x3  }
0x97: {  	_ =	strace s6  }
0x98: {  	s6 =	sld [smem:$0x3FFD];
	_ =	sdelay $0x3  }
0x99: {  	_ =	strace s6  }
0x9a: {  	_ =	strace $0x8FFFFFFF  }
0x9b: {  	s19 =	sld [smem:$0x3FDB];
	_ =	sdelay $0x1  }
0x9c: {  	s7 =	simm.s32 $_scs_section_size  }
0x9d: {  	s8 =	simm.s32 $_size__tile_overlayer_lowered;
	s9 =	simm.s32 $_tile_overlayer_lowered  }
0x9e: {  	s22 =	simm.s32 $0x1BFF;
	s21 =	sshll.u32 s9, $0x1;
	s6 =	sadd.s32 s7, s19  }
0x9f: {  	s10 =	simm.s32 $0x0;
	s20 =	sshll.u32 s8, $0x1;
	s8 =	sadd.s32 s21, s6  }
0xa0: {  	[timem:s10], [sflag:s22] =	dma.local [hbm:s8], s20  }
0xa1: {  	_ =	swait.ge [sflag:s22], s20  }
0xa2: {  	s7 =	ssub.s32 $0x0, s20;
	[sflag:s22] =	ssyncset.done $0x0  }
0xa3: {  	[sflag:s22] =	ssyncadd.s32 s7;
	_ =	sdelay $0x1  }
0xa4: {  	s23 =	simm.s32 $0x1B8B  }
0xa5: {  	_ =	swait.ge [sflag:s23], $0x1  }
0xa6: {  	[sflag:s23] =	ssyncset.done $0x0  }
0xa7: {  	s25 =	simm.s32 $0x1B8E;
	s24 =	sld [smem:$0x3FFE];
	[sflag:s23] =	ssyncadd.s32 $0xFFFFFFFF  }
0xa8: {  	s26 =	simm.s32 $execute0_lowered;
	[smem:$0x3FD2] =	sst s25  }
0xa9: {  	s8 =	sshll.u32 s26, $0x1;
	_ =	strace $0x80000046;
	[dreg:$0x1] =	wrdreg $0xFFFFFFFF  }
0xaa: {  	s28 =	simm.s32 $_size_execute0_lowered;
	s6 =	sadd.s32 s6, s8;
	[dreg:$0x0] =	wrdreg $0x0  }
0xab: {  	s8 =	sshll.u32 s28, $0x1;
	[dreg:$0x2] =	wrdreg s6  }
0xac: {  	[dreg:$0x3] =	wrdreg s8  }
0xad: {  	[dreg:$0x4] =	wrdreg $0xC0  }
0xae: {  	_ =	task [dreg:s10], $0x5FFFF  }
0xaf: {  	[dreg:$0x1] =	wrdreg $0xFFFFFFFF  }
0xb0: {  	[dreg:$0x0] =	wrdreg $0x60  }
0xb1: {  	[dreg:$0x2] =	wrdreg s24  }
0xb2: {  	[dreg:$0x3] =	wrdreg s2  }
0xb3: {  	[dreg:$0x4] =	wrdreg s18  }
0xb4: {  	[dreg:$0x5] =	wrdreg s4  }
0xb5: {  	[dreg:$0x6] =	wrdreg s5  }
0xb6: {  	[dreg:$0x7] =	wrdreg $0x9  }
0xb7: {  	_ =	task.clear_ibuf [dreg:s10], $0x8FFFF;
	_ =	strace $0x90000046  }
0xb8: {  	s29 =	simm.s32 $0x9;
	_ =	strace $0x80000048  }
0xb9: {  	_ =	swait.ge [sflag:s29], $0x1  }
0xba: {  	[sflag:s29] =	ssyncadd.s32 $0xFFFFFFFF  }
0xbb: {  	_ =	strace $0x90000048  }
0xbc: {  	_ =	sfence  }
0xbd: {  	s30 =	sld [smem:$0x0];
	_ =	sdelay $0x2  }
0xbe: {  	s31 =	sshll.u32 s1, $0xD;
	s1 =	sshrl.u32 s1, $0x2  }
0xbf: {  	s3 =	sand.u32 $0x4000, s31;
	s1 =	sadd.s32 s1, s30  }
0xc0: {  	s0 =	sor.u32 s3, s0;
	s1 =	sshll.u32 s1, $0x11  }
0xc1: {  	s0 =	sor.u32 s1, s0  }
0xc2: {  	s0 =	sadd.s32 $0x8F2B, s0  }
0xc3: {  	[sflag:s0] =	ssyncadd.remote.s32 $0x1  }
0xc4: {  	_ =	sfence.sel $0xFFFF  }
0xc5: {  	[dreg:$0x0] =	wrdreg $0xFFFFFFFF;
	(pc) =	sbr.abs _section_cstart, $3  }
0xc6: {  	[dreg:$0x1] =	wrdreg $0xFFFFFFFF  }
0xc7: {  	_ =	task.clear_ibuf [dreg:s10], $0x2FFFF;
	_ =	strace $0x9FFFFFFF  }
0xc8: {  	(tm) =	ssettm $0x7FFFFFFF  }
0xc9: {  	_ =	shalt  }
tec
execute0_lowered:
.L_overlay_start_1:
0x0: {  	(tag) =	ssettag $0x1  }
0x1: {  	s0 =	rddreg [dreg:$0x0]  }
0x2: {  	s4 =	rddreg [dreg:$0x3]  }
0x3: {  	s5 =	rddreg [dreg:$0x4]  }
0x4: {  	s1 =	srdreg.scid;
	s2 =	stileid.u32;
	s6 =	simm.s32 $0x0  }
0x5: {  	s16 =	simm.s32 $0x7;
	s17 =	simm.s32 $0x80;
	s20 =	simm.s32 $0x100  }
0x6: {  	s22 =	simm.s32 $0x50;
	s31 =	simm.s32 $0x5;
	s21 =	simm.s32 $0x4  }
0x7: {  	s24 =	simm.s32 $0x0;
	s1 =	sand.u32 $0x1, s1;
	s2 =	sshll.u32 s2, $0x1  }
0x8: {  	[smem:$0x7FF] =	sst s6;
	s8 =	sadd.s32 $0x3400, s0;
	s2 =	sor.u32 s1, s2  }
0x9: {  	_ =	strace $0x80000047;
	s1 =	ssub.s32 $0x2, s1;
	s3 =	sshll.u32 s2, $0xB  }
0xa: {  	s7 =	smul.u32 $0xA00, s2;
	s28 =	sshrl.u32 s1, $0x1;
	s2 =	sshll.u32 s2, $0x4  }
0xb: {  	s0 =	sadd.s32 s3, s0;
	s1 =	ssub.s32 s1, s28;
	s3 =	simm.s32 $0x1  }
0xc: {  	s9 =	sshrl.u32 s7, $0x3;
	s7 =	sadd.s32 s8, s2;
	s11 =	sadd.s32 $0x8800, s0  }
0xd: {  	s12 =	sadd.s32 $0x18800, s0;
	s13 =	sadd.s32 $0x28800, s0;
	s14 =	sadd.s32 $0x38800, s0  }
0xe: {  	s15 =	smax.u32 s1, $0x1;
	s0 =	simm.s32 $0x6;
	s1 =	simm.s32 $0x2  }
0xf: {  	s2 =	simm.s32 $0x3;
	s29 =	sadd.s32 s8, s9;
	s30 =	sadd.s32 $0x200, s7  }
0x10: {  	[dreg:$0x6] =	wrdreg s30;
	s9 =	sadd.s32 $0x400, s29;
	s10 =	sadd.s32 $0x2C00, s29  }
.LBB2_1:
0x11: {  	[tilespmem:s6], [sflag:$0x7] =	stream.linear.gather [hbm4b:s7+s6], $0x80, $0x38;
	[tilespmem:$0x17500] =	vst v63  }
0x12: {  	_ =	swait.ge [sflag:s16], $0x80  }
0x13: {  	[sflag:s16] =	ssyncset.done $0x0  }
0x14: {  	s8 =	rddreg [dreg:$0x6];
	[sflag:s16] =	ssyncadd.s32 $0xFFFFFF80  }
0x15: {  	[tilespmem:s17], [sflag:$0x7] =	stream.linear.gather [hbm4b:s8+s6], $0x80, $0x38;
	[tilespmem:$0x17500] =	vst v63  }
0x16: {  	_ =	swait.ge [sflag:s16], $0x80  }
0x17: {  	[sflag:s16] =	ssyncset.done $0x0  }
0x18: {  	[sflag:s16] =	ssyncadd.s32 $0xFFFFFF80  }
0x19: {  	s18 =	simm.s32 $0xF500;
	s28 =	rddreg [dreg:$0x1]  }
0x1a: {  	[tilespmem:s18], [sflag:$0x5] =	stream.indirect.gather [hbm4b:s28+s17], $0x80, s6, s17, $0xb8;
	[tilespmem:$0x17500] =	vst v63  }
0x1b: {  	s19 =	simm.s32 $0x13500;
	s29 =	rddreg [dreg:$0x2]  }
0x1c: {  	[tilespmem:s19], [sflag:$0x5] =	stream.indirect.gather [hbm4b:s29+s17], $0x80, s17, s17, $0xb8;
	[tilespmem:$0x17500] =	vst v63  }
0x1d: {  	_ = 	snop  }
0x1e: {  	[tilespmem:s20], [sflag:$0x7] =	stream.linear.gather [hbm4b:s9+s6], $0xA00, $0x38;
	[tilespmem:$0x17500] =	vst v63  }
0x1f: {  	_ =	swait.ge [sflag:s16], $0xA00  }
0x20: {  	[sflag:s16] =	ssyncset.done $0x0  }
0x21: {  	s30 =	simm.s32 $0xB00;
	[sflag:s16] =	ssyncadd.s32 $0xFFFFF600  }
0x22: {  	[tilespmem:s30], [sflag:$0x6] =	stream.linear.gather [hbm4b:s10+s6], $0xA00, $0x38;
	[tilespmem:$0x17500] =	vst v63  }
0x23: {  	s23 =	simm.s32 $0x1500  }
0x24: {  	[tilespmem:s23], [sflag:$0x1] =	stream.indirect.gather [hbm4b:s5+s22], $0x80, s20, s22, $0xb8;
	[tilespmem:$0x17500] =	vst v63  }
0x25: {  	s25 =	simm.s32 $0x150;
	s23 =	simm.s32 $0x3D00  }
0x26: {  	[tilespmem:s23], [sflag:$0x2] =	stream.indirect.gather [hbm4b:s5+s22], $0x80, s25, s22, $0xb8;
	[tilespmem:$0x17500] =	vst v63  }
0x27: {  	s26 =	simm.s32 $0x1A0;
	s28 =	simm.s32 $0x6500  }
0x28: {  	[tilespmem:s28], [sflag:$0x3] =	stream.indirect.gather [hbm4b:s5+s22], $0x80, s26, s22, $0xb8;
	[tilespmem:$0x17500] =	vst v63  }
0x29: {  	s29 =	simm.s32 $0x1F0;
	s30 =	simm.s32 $0x8D00  }
0x2a: {  	[tilespmem:s30], [sflag:$0x4] =	stream.indirect.gather [hbm4b:s5+s22], $0x80, s29, s22, $0xb8;
	[tilespmem:$0x17500] =	vst v63  }
0x2b: {  	_ =	swait.ge [sflag:s31], $0x4000  }
0x2c: {  	[sflag:s31] =	ssyncset.done $0x0  }
0x2d: {  	[sflag:s31] =	ssyncadd.s32 $0xFFFFC000  }
0x2e: {  	_ =	swait.ge [sflag:s31], $0x4000  }
0x2f: {  	[sflag:s31] =	ssyncset.done $0x0  }
0x30: {  	[sflag:s31] =	ssyncadd.s32 $0xFFFFC000  }
0x31: {  	[hbm4b:s11+s6] =	stream.linear.scatter [tilespmem:s18], [sflag:$0x5], $0x4000, $0x38;
	[tilespmem:$0x17500] =	vst v63  }
0x32: {  	_ = 	snop  }
0x33: {  	[hbm4b:s12+s6] =	stream.linear.scatter [tilespmem:s19], [sflag:$0x5], $0x4000, $0x38;
	[tilespmem:$0x17500] =	vst v63  }
0x34: {  	_ =	swait.ge [sflag:s0], $0xA00  }
0x35: {  	[sflag:s0] =	ssyncset.done $0x0  }
0x36: {  	s25 =	simm.s32 $0x0;
	[sflag:s0] =	ssyncadd.s32 $0xFFFFF600  }
.LBB2_2:
0x37: {  	_ =	swait.ge [sflag:s3], $0x2800  }
0x38: {  	p0 =	sgt.u32 s25, $0x7;
	s8 =	simm.s32 $0x1FFFF80;
	s18 =	sshll.u32 s25, $0x4  }
0x39: {  	s28 =	simm.s32 $0x0;
	[sflag:s3] =	ssyncset.done $0x0;
	s8 =	simm.s32 @!p0 $0x0  }
0x3a: {  	s23 =	simm.s32 $0x1500;
	[sflag:s3] =	ssyncadd.s32 $0xFFFFD800;
	s26 =	sadd.s32 s18, s8  }
.LBB2_3:
0x3b: {  	s8 =	smul.u32 $0x2800, s28;
	_ =	sdelay $0x1  }
0x3c: {  	s8 =	sshra.s32 s8, $0x2  }
0x3d: {  	v7 =	vld [tilespmem:s8+$0x1500]  }
0x3e: {  	v8 =	vld [tilespmem:s8+$0x1580]  }
0x3f: {  	v9 =	vld [tilespmem:s8+$0x1510]  }
0x40: {  	v10 =	vld [tilespmem:s8+$0x1590]  }
0x41: {  	v11 =	vld [tilespmem:s8+$0x1520]  }
0x42: {  	v12 =	vld [tilespmem:s8+$0x15A0]  }
0x43: {  	v15 =	vld [tilespmem:s8+$0x1530]  }
0x44: {  	v16 =	vld [tilespmem:s8+$0x15B0]  }
0x45: {  	v17 =	vld [tilespmem:s8+$0x1540]  }
0x46: {  	v22 =	vld [tilespmem:s8+$0x15C0]  }
0x47: {  	v23 =	vld [tilespmem:s8+$0x1550]  }
0x48: {  	v1 =	vmov s23;
	v24 =	vld [tilespmem:s8+$0x15D0]  }
0x49: {  	v25 =	vld [tilespmem:s8+$0x1560]  }
0x4a: {  	v26 =	vld [tilespmem:s8+$0x15E0]  }
0x4b: {  	v27 =	vld [tilespmem:s8+$0x1570]  }
0x4c: {  	s18 =	simm.s32 $0x1F0;
	v28 =	vld [tilespmem:s8+$0x15F0]  }
0x4d: {  	v6 =	vld.idx.msk [tilespmem:v1+s18+$0xFFFFFF90 ss:$0x1], $0xffff  }
0x4e: {  	v3 =	vld.idx.msk [tilespmem:v1+s18+$0xFFFFFFA0 ss:$0x1], $0xffff  }
0x4f: {  	v4 =	vld.idx.msk [tilespmem:v1+s18+$0xFFFFFFB0 ss:$0x1], $0xffff  }
0x50: {  	v5 =	vld.idx.msk [tilespmem:v1+s18+$0xFFFFFFC0 ss:$0x1], $0xffff  }
0x51: {  	v2 =	vld.idx.msk [tilespmem:v1+s18+$0xFFFFFFD0 ss:$0x1], $0xffff  }
0x52: {  	v0 =	vld.idx.msk [tilespmem:v1+s18+$0xFFFFFFE0 ss:$0x1], $0xffff  }
0x53: {  	v20 =	vld.idx.msk [tilespmem:v1+s18+$0xFFFFFF10 ss:$0x1], $0xffff  }
0x54: {  	v21 =	vld.idx.msk [tilespmem:v1+s18+$0xFFFFFF20 ss:$0x1], $0xffff  }
0x55: {  	v18 =	vld.idx.msk [tilespmem:v1+s18+$0xFFFFFF30 ss:$0x1], $0xffff  }
0x56: {  	v19 =	vld.idx.msk [tilespmem:v1+s18+$0xFFFFFF40 ss:$0x1], $0xffff;
	v13 =	vadd.f32 v8, v7;
	v14 =	vadd.f32 v10, v9  }
0x57: {  	v12 =	vadd.f32 v12, v11;
	v11 =	vadd.f32 v16, v15;
	v15 =	vld.idx.msk [tilespmem:v1+s18+$0xFFFFFF50 ss:$0x1], $0xffff  }
0x58: {  	v10 =	vadd.f32 v22, v17;
	v8 =	vadd.f32 v24, v23;
	v16 =	vld.idx.msk [tilespmem:v1+s18+$0xFFFFFF60 ss:$0x1], $0xffff  }
0x59: {  	s8 =	simm.s32 $0xBC0;
	v9 =	vadd.f32 v26, v25;
	v7 =	vadd.f32 v28, v27;
	v17 =	vld.idx.msk [tilespmem:v1+s18+$0xFFFFFF70 ss:$0x1], $0xffff  }
.LBB2_4:
0x5a: {  	p0 =	sne.s32 s8, $0x27C0;
	v22 =	vld.idx.msk [tilespmem:v1+s18+$0xFFFFFF80 ss:$0x1], $0xffff  }
0x5b: {  	v13 =	vadd.f32 v20, v13;
	v14 =	vadd.f32 v21, v14;
	v20 =	vld.idx.msk [tilespmem:v1+s18+$0xFFFFFFF0 ss:$0x1], $0xffff  }
0x5c: {  	v12 =	vadd.f32 v18, v12;
	v11 =	vadd.f32 v19, v11;
	v18 =	vld.idx.msk [tilespmem:v1+s18+$0x0 ss:$0x1], $0xffff;
	s18 =	sshra.s32 s8, $0x2  }
0x5d: {  	v13 =	vadd.f32 v6, v13;
	v14 =	vadd.f32 v3, v14;
	v6 =	vld.idx.msk [tilespmem:v1+s18+$0xFFFFFF90 ss:$0x1], $0xffff  }
0x5e: {  	v12 =	vadd.f32 v4, v12;
	v11 =	vadd.f32 v5, v11;
	v3 =	vld.idx.msk [tilespmem:v1+s18+$0xFFFFFFA0 ss:$0x1], $0xffff  }
0x5f: {  	v10 =	vadd.f32 v15, v10;
	v8 =	vadd.f32 v16, v8;
	v4 =	vld.idx.msk [tilespmem:v1+s18+$0xFFFFFFB0 ss:$0x1], $0xffff  }
0x60: {  	v9 =	vadd.f32 v17, v9;
	v7 =	vadd.f32 v22, v7;
	v5 =	vld.idx.msk [tilespmem:v1+s18+$0xFFFFFFC0 ss:$0x1], $0xffff  }
0x61: {  	v10 =	vadd.f32 v2, v10;
	v8 =	vadd.f32 v0, v8;
	v2 =	vld.idx.msk [tilespmem:v1+s18+$0xFFFFFFD0 ss:$0x1], $0xffff  }
0x62: {  	v9 =	vadd.f32 v20, v9;
	v7 =	vadd.f32 v18, v7;
	v0 =	vld.idx.msk [tilespmem:v1+s18+$0xFFFFFFE0 ss:$0x1], $0xffff  }
0x63: {  	v20 =	vld.idx.msk [tilespmem:v1+s18+$0xFFFFFF10 ss:$0x1], $0xffff  }
0x64: {  	v21 =	vld.idx.msk [tilespmem:v1+s18+$0xFFFFFF20 ss:$0x1], $0xffff  }
.Ltmp0:
0x65: {  	v18 =	vld.idx.msk [tilespmem:v1+s18+$0xFFFFFF30 ss:$0x1], $0xffff;
	(pc) =	sbr.rel @p0 .LBB2_4-.Ltmp0, $4  }
0x66: {  	v19 =	vld.idx.msk [tilespmem:v1+s18+$0xFFFFFF40 ss:$0x1], $0xffff  }
0x67: {  	v15 =	vld.idx.msk [tilespmem:v1+s18+$0xFFFFFF50 ss:$0x1], $0xffff  }
0x68: {  	v16 =	vld.idx.msk [tilespmem:v1+s18+$0xFFFFFF60 ss:$0x1], $0xffff  }
0x69: {  	s8 =	sadd.s32 $0x400, s8;
	v17 =	vld.idx.msk [tilespmem:v1+s18+$0xFFFFFF70 ss:$0x1], $0xffff  }
0x6a: {  	_ =	sdelay $0x1  }
0x6b: {  	v13 =	vadd.f32 v20, v13  }
0x6c: {  	v14 =	vadd.f32 v21, v14;
	s8 =	sadd.s32 s26, s28  }
0x6d: {  	v58 =	vld.idx.msk [tilespmem:v1+s18+$0xFFFFFF80 ss:$0x1], $0xffff;
	v12 =	vadd.f32 v18, v12;
	s8 =	sshll.u32 s8, $0x9;
	v6 =	vadd.f32 v6, v13  }
0x6e: {  	v59 =	vld.idx.msk [tilespmem:v1+s18+$0xFFFFFFF0 ss:$0x1], $0xffff;
	v11 =	vadd.f32 v19, v11;
	v3 =	vadd.f32 v3, v14;
	s8 =	sshra.s32 s8, $0x2  }
0x6f: {  	v60 =	vld.idx.msk [tilespmem:v1+s18+$0x0 ss:$0x1], $0xffff;
	v4 =	vadd.f32 v4, v12;
	v10 =	vadd.f32 v15, v10;
	[tilespmem:s8+$0xB500] =	vst v6  }
0x70: {  	s28 =	sadd.s32 $0x1, s28;
	v5 =	vadd.f32 v5, v11;
	v61 =	vadd.f32 v16, v8;
	[tilespmem:s8+$0xB510] =	vst v3  }
0x71: {  	p0 =	sne.s32 s28, $0x4;
	v62 =	vadd.f32 v17, v9;
	v2 =	vadd.f32 v2, v10;
	[tilespmem:s8+$0xB520] =	vst v4  }
.Ltmp1:
0x72: {  	v63 =	vadd.f32 v58, v7;
	v0 =	vadd.f32 v0, v61;
	[tilespmem:s8+$0xB530] =	vst v5;
	(pc) =	sbr.rel @p0 .LBB2_3-.Ltmp1, $4  }
0x73: {  	v3 =	vadd.f32 v59, v62;
	[tilespmem:s8+$0xB540] =	vst v2  }
0x74: {  	v1 =	vadd.f32 v60, v63;
	[tilespmem:s8+$0xB550] =	vst v0  }
0x75: {  	[tilespmem:s8+$0xB560] =	vst v3  }
0x76: {  	s23 =	sadd.s32 $0xA00, s23;
	[tilespmem:s8+$0xB570] =	vst v1  }
0x77: {  	p0 =	sgt.u32 s25, $0x6  }
0x78: {  	s18 =	sshll.u32 s25, $0x2;
	s8 =	smul.u32 @!p0 $0x500, s25  }
0x79: {  	s23 =	sadd.s32 $0xFFFFFFE4, s18  }
0x7a: {  	s19 =	simm.s32 @!p0 $0x1500;
	p1 =	sgt.u32 s23, $0x1F;
	s28 =	sshra.s32 @!p0 s8, $0x2  }
0x7b: {  	s8 =	simm.s32 @!p0 $0x50;
	s23 =	smul.u32 @!p1 $0x500, s25;
	s18 =	sadd.s32 @!p0 $0x240, s28  }
0x7c: {  	[tilespmem:s19], [sflag:$0x1] =	stream.indirect.gather @!p0 [hbm4b:s5+s8], $0x80, s18, s8, $0xb8;
	[tilespmem:$0x17500] =	vst v63  }
0x7d: {  	s29 =	sshra.s32 @!p1 s23, $0x2  }
0x7e: {  	s18 =	simm.s32 @!p1 $0x50;
	s19 =	simm.s32 @!p1 $0x1500;
	s8 =	sadd.s32 @!p1 $0x240, s29  }
0x7f: {  	[tilespmem:s19], [sflag:$0x1] =	stream.indirect.gather @!p1 [hbm4b:s4+s18], $0x80, s8, s18, $0xb8;
	[tilespmem:$0x17500] =	vst v63  }
0x80: {  	_ =	swait.ge [sflag:s1], $0x2800  }
0x81: {  	s30 =	sadd.s32 $0x4, s26;
	[sflag:s1] =	ssyncset.done $0x0  }
0x82: {  	s23 =	simm.s32 $0x0;
	s18 =	simm.s32 $0x3D00;
	[sflag:s1] =	ssyncadd.s32 $0xFFFFD800  }
.LBB2_7:
0x83: {  	s8 =	smul.u32 $0x2800, s23;
	_ =	sdelay $0x1  }
0x84: {  	s8 =	sshra.s32 s8, $0x2  }
0x85: {  	v7 =	vld [tilespmem:s8+$0x3D00]  }
0x86: {  	v8 =	vld [tilespmem:s8+$0x3D80]  }
0x87: {  	v9 =	vld [tilespmem:s8+$0x3D10]  }
0x88: {  	v10 =	vld [tilespmem:s8+$0x3D90]  }
0x89: {  	v11 =	vld [tilespmem:s8+$0x3D20]  }
0x8a: {  	v12 =	vld [tilespmem:s8+$0x3DA0]  }
0x8b: {  	v15 =	vld [tilespmem:s8+$0x3D30]  }
0x8c: {  	v16 =	vld [tilespmem:s8+$0x3DB0]  }
0x8d: {  	v17 =	vld [tilespmem:s8+$0x3D40]  }
0x8e: {  	v22 =	vld [tilespmem:s8+$0x3DC0]  }
0x8f: {  	v23 =	vld [tilespmem:s8+$0x3D50]  }
0x90: {  	v1 =	vmov s18;
	v24 =	vld [tilespmem:s8+$0x3DD0]  }
0x91: {  	v25 =	vld [tilespmem:s8+$0x3D60]  }
0x92: {  	v26 =	vld [tilespmem:s8+$0x3DE0]  }
0x93: {  	v27 =	vld [tilespmem:s8+$0x3D70]  }
0x94: {  	v28 =	vld [tilespmem:s8+$0x3DF0];
	s8 =	simm.s32 $0x1F0  }
0x95: {  	v6 =	vld.idx.msk [tilespmem:v1+s8+$0xFFFFFF90 ss:$0x1], $0xffff  }
0x96: {  	v3 =	vld.idx.msk [tilespmem:v1+s8+$0xFFFFFFA0 ss:$0x1], $0xffff  }
0x97: {  	v4 =	vld.idx.msk [tilespmem:v1+s8+$0xFFFFFFB0 ss:$0x1], $0xffff  }
0x98: {  	v5 =	vld.idx.msk [tilespmem:v1+s8+$0xFFFFFFC0 ss:$0x1], $0xffff  }
0x99: {  	v2 =	vld.idx.msk [tilespmem:v1+s8+$0xFFFFFFD0 ss:$0x1], $0xffff  }
0x9a: {  	v0 =	vld.idx.msk [tilespmem:v1+s8+$0xFFFFFFE0 ss:$0x1], $0xffff  }
0x9b: {  	v20 =	vld.idx.msk [tilespmem:v1+s8+$0xFFFFFF10 ss:$0x1], $0xffff  }
0x9c: {  	v21 =	vld.idx.msk [tilespmem:v1+s8+$0xFFFFFF20 ss:$0x1], $0xffff  }
0x9d: {  	v18 =	vld.idx.msk [tilespmem:v1+s8+$0xFFFFFF30 ss:$0x1], $0xffff  }
0x9e: {  	v19 =	vld.idx.msk [tilespmem:v1+s8+$0xFFFFFF40 ss:$0x1], $0xffff;
	v13 =	vadd.f32 v8, v7;
	v14 =	vadd.f32 v10, v9  }
0x9f: {  	v12 =	vadd.f32 v12, v11;
	v11 =	vadd.f32 v16, v15;
	v15 =	vld.idx.msk [tilespmem:v1+s8+$0xFFFFFF50 ss:$0x1], $0xffff  }
0xa0: {  	v10 =	vadd.f32 v22, v17;
	v8 =	vadd.f32 v24, v23;
	v16 =	vld.idx.msk [tilespmem:v1+s8+$0xFFFFFF60 ss:$0x1], $0xffff  }
0xa1: {  	s19 =	simm.s32 $0xBC0;
	v9 =	vadd.f32 v26, v25;
	v7 =	vadd.f32 v28, v27;
	v17 =	vld.idx.msk [tilespmem:v1+s8+$0xFFFFFF70 ss:$0x1], $0xffff  }
.LBB2_8:
0xa2: {  	p2 =	sne.s32 s19, $0x27C0;
	v22 =	vld.idx.msk [tilespmem:v1+s8+$0xFFFFFF80 ss:$0x1], $0xffff  }
0xa3: {  	v13 =	vadd.f32 v20, v13;
	v14 =	vadd.f32 v21, v14;
	v20 =	vld.idx.msk [tilespmem:v1+s8+$0xFFFFFFF0 ss:$0x1], $0xffff  }
0xa4: {  	v12 =	vadd.f32 v18, v12;
	v11 =	vadd.f32 v19, v11;
	v18 =	vld.idx.msk [tilespmem:v1+s8+$0x0 ss:$0x1], $0xffff;
	s8 =	sshra.s32 s19, $0x2  }
0xa5: {  	v13 =	vadd.f32 v6, v13;
	v14 =	vadd.f32 v3, v14;
	v6 =	vld.idx.msk [tilespmem:v1+s8+$0xFFFFFF90 ss:$0x1], $0xffff  }
0xa6: {  	v12 =	vadd.f32 v4, v12;
	v11 =	vadd.f32 v5, v11;
	v3 =	vld.idx.msk [tilespmem:v1+s8+$0xFFFFFFA0 ss:$0x1], $0xffff  }
0xa7: {  	v10 =	vadd.f32 v15, v10;
	v8 =	vadd.f32 v16, v8;
	v4 =	vld.idx.msk [tilespmem:v1+s8+$0xFFFFFFB0 ss:$0x1], $0xffff  }
0xa8: {  	v9 =	vadd.f32 v17, v9;
	v7 =	vadd.f32 v22, v7;
	v5 =	vld.idx.msk [tilespmem:v1+s8+$0xFFFFFFC0 ss:$0x1], $0xffff  }
0xa9: {  	v10 =	vadd.f32 v2, v10;
	v8 =	vadd.f32 v0, v8;
	v2 =	vld.idx.msk [tilespmem:v1+s8+$0xFFFFFFD0 ss:$0x1], $0xffff  }
0xaa: {  	v9 =	vadd.f32 v20, v9;
	v7 =	vadd.f32 v18, v7;
	v0 =	vld.idx.msk [tilespmem:v1+s8+$0xFFFFFFE0 ss:$0x1], $0xffff  }
0xab: {  	v20 =	vld.idx.msk [tilespmem:v1+s8+$0xFFFFFF10 ss:$0x1], $0xffff  }
0xac: {  	v21 =	vld.idx.msk [tilespmem:v1+s8+$0xFFFFFF20 ss:$0x1], $0xffff  }
.Ltmp2:
0xad: {  	v18 =	vld.idx.msk [tilespmem:v1+s8+$0xFFFFFF30 ss:$0x1], $0xffff;
	(pc) =	sbr.rel @p2 .LBB2_8-.Ltmp2, $4  }
0xae: {  	v19 =	vld.idx.msk [tilespmem:v1+s8+$0xFFFFFF40 ss:$0x1], $0xffff  }
0xaf: {  	v15 =	vld.idx.msk [tilespmem:v1+s8+$0xFFFFFF50 ss:$0x1], $0xffff  }
0xb0: {  	v16 =	vld.idx.msk [tilespmem:v1+s8+$0xFFFFFF60 ss:$0x1], $0xffff  }
0xb1: {  	s19 =	sadd.s32 $0x400, s19;
	v17 =	vld.idx.msk [tilespmem:v1+s8+$0xFFFFFF70 ss:$0x1], $0xffff  }
0xb2: {  	_ =	sdelay $0x1  }
0xb3: {  	v13 =	vadd.f32 v20, v13  }
0xb4: {  	v14 =	vadd.f32 v21, v14;
	s19 =	sadd.s32 s30, s23  }
0xb5: {  	v58 =	vld.idx.msk [tilespmem:v1+s8+$0xFFFFFF80 ss:$0x1], $0xffff;
	v12 =	vadd.f32 v18, v12;
	s19 =	sshll.u32 s19, $0x9;
	v6 =	vadd.f32 v6, v13  }
0xb6: {  	v59 =	vld.idx.msk [tilespmem:v1+s8+$0xFFFFFFF0 ss:$0x1], $0xffff;
	v11 =	vadd.f32 v19, v11;
	v3 =	vadd.f32 v3, v14;
	s19 =	sshra.s32 s19, $0x2  }
0xb7: {  	v60 =	vld.idx.msk [tilespmem:v1+s8+$0x0 ss:$0x1], $0xffff;
	v4 =	vadd.f32 v4, v12;
	v10 =	vadd.f32 v15, v10;
	[tilespmem:s19+$0xB500] =	vst v6  }
0xb8: {  	s23 =	sadd.s32 $0x1, s23;
	v5 =	vadd.f32 v5, v11;
	v61 =	vadd.f32 v16, v8;
	[tilespmem:s19+$0xB510] =	vst v3  }
0xb9: {  	p2 =	sne.s32 s23, $0x4;
	v62 =	vadd.f32 v17, v9;
	v2 =	vadd.f32 v2, v10;
	[tilespmem:s19+$0xB520] =	vst v4  }
.Ltmp3:
0xba: {  	v63 =	vadd.f32 v58, v7;
	v0 =	vadd.f32 v0, v61;
	[tilespmem:s19+$0xB530] =	vst v5;
	(pc) =	sbr.rel @p2 .LBB2_7-.Ltmp3, $4  }
0xbb: {  	v3 =	vadd.f32 v59, v62;
	[tilespmem:s19+$0xB540] =	vst v2  }
0xbc: {  	v1 =	vadd.f32 v60, v63;
	[tilespmem:s19+$0xB550] =	vst v0  }
0xbd: {  	[tilespmem:s19+$0xB560] =	vst v3  }
0xbe: {  	s18 =	sadd.s32 $0xA00, s18;
	[tilespmem:s19+$0xB570] =	vst v1  }
0xbf: {  	s8 =	sadd.s32 @!p0 $0x290, s28;
	s18 =	simm.s32 @!p0 $0x50;
	s19 =	simm.s32 @!p0 $0x3D00  }
0xc0: {  	[tilespmem:s19], [sflag:$0x2] =	stream.indirect.gather @!p0 [hbm4b:s5+s18], $0x80, s8, s18, $0xb8;
	[tilespmem:$0x17500] =	vst v63  }
0xc1: {  	s8 =	sadd.s32 @!p1 $0x290, s29;
	s18 =	simm.s32 @!p1 $0x50;
	s19 =	simm.s32 @!p1 $0x3D00  }
0xc2: {  	[tilespmem:s19], [sflag:$0x2] =	stream.indirect.gather @!p1 [hbm4b:s4+s18], $0x80, s8, s18, $0xb8;
	[tilespmem:$0x17500] =	vst v63  }
0xc3: {  	_ =	swait.ge [sflag:s2], $0x2800  }
0xc4: {  	s30 =	sadd.s32 $0x8, s26;
	[sflag:s2] =	ssyncset.done $0x0  }
0xc5: {  	s23 =	simm.s32 $0x0;
	s18 =	simm.s32 $0x6500;
	[sflag:s2] =	ssyncadd.s32 $0xFFFFD800  }
.LBB2_11:
0xc6: {  	s8 =	smul.u32 $0x2800, s23;
	_ =	sdelay $0x1  }
0xc7: {  	s8 =	sshra.s32 s8, $0x2  }
0xc8: {  	v7 =	vld [tilespmem:s8+$0x6500]  }
0xc9: {  	v8 =	vld [tilespmem:s8+$0x6580]  }
0xca: {  	v9 =	vld [tilespmem:s8+$0x6510]  }
0xcb: {  	v10 =	vld [tilespmem:s8+$0x6590]  }
0xcc: {  	v11 =	vld [tilespmem:s8+$0x6520]  }
0xcd: {  	v12 =	vld [tilespmem:s8+$0x65A0]  }
0xce: {  	v15 =	vld [tilespmem:s8+$0x6530]  }
0xcf: {  	v16 =	vld [tilespmem:s8+$0x65B0]  }
0xd0: {  	v17 =	vld [tilespmem:s8+$0x6540]  }
0xd1: {  	v22 =	vld [tilespmem:s8+$0x65C0]  }
0xd2: {  	v23 =	vld [tilespmem:s8+$0x6550]  }
0xd3: {  	v1 =	vmov s18;
	v24 =	vld [tilespmem:s8+$0x65D0]  }
0xd4: {  	v25 =	vld [tilespmem:s8+$0x6560]  }
0xd5: {  	v26 =	vld [tilespmem:s8+$0x65E0]  }
0xd6: {  	v27 =	vld [tilespmem:s8+$0x6570]  }
0xd7: {  	v28 =	vld [tilespmem:s8+$0x65F0];
	s8 =	simm.s32 $0x1F0  }
0xd8: {  	v6 =	vld.idx.msk [tilespmem:v1+s8+$0xFFFFFF90 ss:$0x1], $0xffff  }
0xd9: {  	v3 =	vld.idx.msk [tilespmem:v1+s8+$0xFFFFFFA0 ss:$0x1], $0xffff  }
0xda: {  	v4 =	vld.idx.msk [tilespmem:v1+s8+$0xFFFFFFB0 ss:$0x1], $0xffff  }
0xdb: {  	v5 =	vld.idx.msk [tilespmem:v1+s8+$0xFFFFFFC0 ss:$0x1], $0xffff  }
0xdc: {  	v2 =	vld.idx.msk [tilespmem:v1+s8+$0xFFFFFFD0 ss:$0x1], $0xffff  }
0xdd: {  	v0 =	vld.idx.msk [tilespmem:v1+s8+$0xFFFFFFE0 ss:$0x1], $0xffff  }
0xde: {  	v20 =	vld.idx.msk [tilespmem:v1+s8+$0xFFFFFF10 ss:$0x1], $0xffff  }
0xdf: {  	v21 =	vld.idx.msk [tilespmem:v1+s8+$0xFFFFFF20 ss:$0x1], $0xffff  }
0xe0: {  	v18 =	vld.idx.msk [tilespmem:v1+s8+$0xFFFFFF30 ss:$0x1], $0xffff  }
0xe1: {  	v19 =	vld.idx.msk [tilespmem:v1+s8+$0xFFFFFF40 ss:$0x1], $0xffff;
	v13 =	vadd.f32 v8, v7;
	v14 =	vadd.f32 v10, v9  }
0xe2: {  	v12 =	vadd.f32 v12, v11;
	v11 =	vadd.f32 v16, v15;
	v15 =	vld.idx.msk [tilespmem:v1+s8+$0xFFFFFF50 ss:$0x1], $0xffff  }
0xe3: {  	v10 =	vadd.f32 v22, v17;
	v8 =	vadd.f32 v24, v23;
	v16 =	vld.idx.msk [tilespmem:v1+s8+$0xFFFFFF60 ss:$0x1], $0xffff  }
0xe4: {  	s19 =	simm.s32 $0xBC0;
	v9 =	vadd.f32 v26, v25;
	v7 =	vadd.f32 v28, v27;
	v17 =	vld.idx.msk [tilespmem:v1+s8+$0xFFFFFF70 ss:$0x1], $0xffff  }
.LBB2_12:
0xe5: {  	p2 =	sne.s32 s19, $0x27C0;
	v22 =	vld.idx.msk [tilespmem:v1+s8+$0xFFFFFF80 ss:$0x1], $0xffff  }
0xe6: {  	v13 =	vadd.f32 v20, v13;
	v14 =	vadd.f32 v21, v14;
	v20 =	vld.idx.msk [tilespmem:v1+s8+$0xFFFFFFF0 ss:$0x1], $0xffff  }
0xe7: {  	v12 =	vadd.f32 v18, v12;
	v11 =	vadd.f32 v19, v11;
	v18 =	vld.idx.msk [tilespmem:v1+s8+$0x0 ss:$0x1], $0xffff;
	s8 =	sshra.s32 s19, $0x2  }
0xe8: {  	v13 =	vadd.f32 v6, v13;
	v14 =	vadd.f32 v3, v14;
	v6 =	vld.idx.msk [tilespmem:v1+s8+$0xFFFFFF90 ss:$0x1], $0xffff  }
0xe9: {  	v12 =	vadd.f32 v4, v12;
	v11 =	vadd.f32 v5, v11;
	v3 =	vld.idx.msk [tilespmem:v1+s8+$0xFFFFFFA0 ss:$0x1], $0xffff  }
0xea: {  	v10 =	vadd.f32 v15, v10;
	v8 =	vadd.f32 v16, v8;
	v4 =	vld.idx.msk [tilespmem:v1+s8+$0xFFFFFFB0 ss:$0x1], $0xffff  }
0xeb: {  	v9 =	vadd.f32 v17, v9;
	v7 =	vadd.f32 v22, v7;
	v5 =	vld.idx.msk [tilespmem:v1+s8+$0xFFFFFFC0 ss:$0x1], $0xffff  }
0xec: {  	v10 =	vadd.f32 v2, v10;
	v8 =	vadd.f32 v0, v8;
	v2 =	vld.idx.msk [tilespmem:v1+s8+$0xFFFFFFD0 ss:$0x1], $0xffff  }
0xed: {  	v9 =	vadd.f32 v20, v9;
	v7 =	vadd.f32 v18, v7;
	v0 =	vld.idx.msk [tilespmem:v1+s8+$0xFFFFFFE0 ss:$0x1], $0xffff  }
0xee: {  	v20 =	vld.idx.msk [tilespmem:v1+s8+$0xFFFFFF10 ss:$0x1], $0xffff  }
0xef: {  	v21 =	vld.idx.msk [tilespmem:v1+s8+$0xFFFFFF20 ss:$0x1], $0xffff  }
.Ltmp4:
0xf0: {  	v18 =	vld.idx.msk [tilespmem:v1+s8+$0xFFFFFF30 ss:$0x1], $0xffff;
	(pc) =	sbr.rel @p2 .LBB2_12-.Ltmp4, $4  }
0xf1: {  	v19 =	vld.idx.msk [tilespmem:v1+s8+$0xFFFFFF40 ss:$0x1], $0xffff  }
0xf2: {  	v15 =	vld.idx.msk [tilespmem:v1+s8+$0xFFFFFF50 ss:$0x1], $0xffff  }
0xf3: {  	v16 =	vld.idx.msk [tilespmem:v1+s8+$0xFFFFFF60 ss:$0x1], $0xffff  }
0xf4: {  	s19 =	sadd.s32 $0x400, s19;
	v17 =	vld.idx.msk [tilespmem:v1+s8+$0xFFFFFF70 ss:$0x1], $0xffff  }
0xf5: {  	_ =	sdelay $0x1  }
0xf6: {  	v13 =	vadd.f32 v20, v13  }
0xf7: {  	v14 =	vadd.f32 v21, v14;
	s19 =	sadd.s32 s30, s23  }
0xf8: {  	v58 =	vld.idx.msk [tilespmem:v1+s8+$0xFFFFFF80 ss:$0x1], $0xffff;
	v12 =	vadd.f32 v18, v12;
	s19 =	sshll.u32 s19, $0x9;
	v6 =	vadd.f32 v6, v13  }
0xf9: {  	v59 =	vld.idx.msk [tilespmem:v1+s8+$0xFFFFFFF0 ss:$0x1], $0xffff;
	v11 =	vadd.f32 v19, v11;
	v3 =	vadd.f32 v3, v14;
	s19 =	sshra.s32 s19, $0x2  }
0xfa: {  	v60 =	vld.idx.msk [tilespmem:v1+s8+$0x0 ss:$0x1], $0xffff;
	v4 =	vadd.f32 v4, v12;
	v10 =	vadd.f32 v15, v10;
	[tilespmem:s19+$0xB500] =	vst v6  }
0xfb: {  	s23 =	sadd.s32 $0x1, s23;
	v5 =	vadd.f32 v5, v11;
	v61 =	vadd.f32 v16, v8;
	[tilespmem:s19+$0xB510] =	vst v3  }
0xfc: {  	p2 =	sne.s32 s23, $0x4;
	v62 =	vadd.f32 v17, v9;
	v2 =	vadd.f32 v2, v10;
	[tilespmem:s19+$0xB520] =	vst v4  }
.Ltmp5:
0xfd: {  	v63 =	vadd.f32 v58, v7;
	v0 =	vadd.f32 v0, v61;
	[tilespmem:s19+$0xB530] =	vst v5;
	(pc) =	sbr.rel @p2 .LBB2_11-.Ltmp5, $4  }
0xfe: {  	v3 =	vadd.f32 v59, v62;
	[tilespmem:s19+$0xB540] =	vst v2  }
0xff: {  	v1 =	vadd.f32 v60, v63;
	[tilespmem:s19+$0xB550] =	vst v0  }
0x100: {  	[tilespmem:s19+$0xB560] =	vst v3  }
0x101: {  	s18 =	sadd.s32 $0xA00, s18;
	[tilespmem:s19+$0xB570] =	vst v1  }
0x102: {  	s8 =	sadd.s32 @!p0 $0x2E0, s28;
	s18 =	simm.s32 @!p0 $0x50;
	s19 =	simm.s32 @!p0 $0x6500  }
0x103: {  	[tilespmem:s19], [sflag:$0x3] =	stream.indirect.gather @!p0 [hbm4b:s5+s18], $0x80, s8, s18, $0xb8;
	[tilespmem:$0x17500] =	vst v63  }
0x104: {  	s8 =	sadd.s32 @!p1 $0x2E0, s29;
	s18 =	simm.s32 @!p1 $0x50;
	s19 =	simm.s32 @!p1 $0x6500  }
0x105: {  	[tilespmem:s19], [sflag:$0x3] =	stream.indirect.gather @!p1 [hbm4b:s4+s18], $0x80, s8, s18, $0xb8;
	[tilespmem:$0x17500] =	vst v63  }
0x106: {  	_ =	swait.ge [sflag:s21], $0x2800  }
0x107: {  	s26 =	sadd.s32 $0xC, s26;
	[sflag:s21] =	ssyncset.done $0x0  }
0x108: {  	s23 =	simm.s32 $0x0;
	s18 =	simm.s32 $0x8D00;
	[sflag:s21] =	ssyncadd.s32 $0xFFFFD800  }
.LBB2_15:
0x109: {  	s8 =	smul.u32 $0x2800, s23;
	_ =	sdelay $0x1  }
0x10a: {  	s8 =	sshra.s32 s8, $0x2  }
0x10b: {  	v7 =	vld [tilespmem:s8+$0x8D00]  }
0x10c: {  	v8 =	vld [tilespmem:s8+$0x8D80]  }
0x10d: {  	v9 =	vld [tilespmem:s8+$0x8D10]  }
0x10e: {  	v10 =	vld [tilespmem:s8+$0x8D90]  }
0x10f: {  	v11 =	vld [tilespmem:s8+$0x8D20]  }
0x110: {  	v12 =	vld [tilespmem:s8+$0x8DA0]  }
0x111: {  	v15 =	vld [tilespmem:s8+$0x8D30]  }
0x112: {  	v16 =	vld [tilespmem:s8+$0x8DB0]  }
0x113: {  	v17 =	vld [tilespmem:s8+$0x8D40]  }
0x114: {  	v22 =	vld [tilespmem:s8+$0x8DC0]  }
0x115: {  	v23 =	vld [tilespmem:s8+$0x8D50]  }
0x116: {  	v1 =	vmov s18;
	v24 =	vld [tilespmem:s8+$0x8DD0]  }
0x117: {  	v25 =	vld [tilespmem:s8+$0x8D60]  }
0x118: {  	v26 =	vld [tilespmem:s8+$0x8DE0]  }
0x119: {  	v27 =	vld [tilespmem:s8+$0x8D70]  }
0x11a: {  	v28 =	vld [tilespmem:s8+$0x8DF0];
	s8 =	simm.s32 $0x1F0  }
0x11b: {  	v6 =	vld.idx.msk [tilespmem:v1+s8+$0xFFFFFF90 ss:$0x1], $0xffff  }
0x11c: {  	v3 =	vld.idx.msk [tilespmem:v1+s8+$0xFFFFFFA0 ss:$0x1], $0xffff  }
0x11d: {  	v4 =	vld.idx.msk [tilespmem:v1+s8+$0xFFFFFFB0 ss:$0x1], $0xffff  }
0x11e: {  	v5 =	vld.idx.msk [tilespmem:v1+s8+$0xFFFFFFC0 ss:$0x1], $0xffff  }
0x11f: {  	v2 =	vld.idx.msk [tilespmem:v1+s8+$0xFFFFFFD0 ss:$0x1], $0xffff  }
0x120: {  	v0 =	vld.idx.msk [tilespmem:v1+s8+$0xFFFFFFE0 ss:$0x1], $0xffff  }
0x121: {  	v20 =	vld.idx.msk [tilespmem:v1+s8+$0xFFFFFF10 ss:$0x1], $0xffff  }
0x122: {  	v21 =	vld.idx.msk [tilespmem:v1+s8+$0xFFFFFF20 ss:$0x1], $0xffff  }
0x123: {  	v18 =	vld.idx.msk [tilespmem:v1+s8+$0xFFFFFF30 ss:$0x1], $0xffff  }
0x124: {  	v19 =	vld.idx.msk [tilespmem:v1+s8+$0xFFFFFF40 ss:$0x1], $0xffff;
	v13 =	vadd.f32 v8, v7;
	v14 =	vadd.f32 v10, v9  }
0x125: {  	v12 =	vadd.f32 v12, v11;
	v11 =	vadd.f32 v16, v15;
	v15 =	vld.idx.msk [tilespmem:v1+s8+$0xFFFFFF50 ss:$0x1], $0xffff  }
0x126: {  	v10 =	vadd.f32 v22, v17;
	v8 =	vadd.f32 v24, v23;
	v16 =	vld.idx.msk [tilespmem:v1+s8+$0xFFFFFF60 ss:$0x1], $0xffff  }
0x127: {  	s19 =	simm.s32 $0xBC0;
	v9 =	vadd.f32 v26, v25;
	v7 =	vadd.f32 v28, v27;
	v17 =	vld.idx.msk [tilespmem:v1+s8+$0xFFFFFF70 ss:$0x1], $0xffff  }
.LBB2_16:
0x128: {  	p2 =	sne.s32 s19, $0x27C0;
	v22 =	vld.idx.msk [tilespmem:v1+s8+$0xFFFFFF80 ss:$0x1], $0xffff  }
0x129: {  	v13 =	vadd.f32 v20, v13;
	v14 =	vadd.f32 v21, v14;
	v20 =	vld.idx.msk [tilespmem:v1+s8+$0xFFFFFFF0 ss:$0x1], $0xffff  }
0x12a: {  	v12 =	vadd.f32 v18, v12;
	v11 =	vadd.f32 v19, v11;
	v18 =	vld.idx.msk [tilespmem:v1+s8+$0x0 ss:$0x1], $0xffff;
	s8 =	sshra.s32 s19, $0x2  }
0x12b: {  	v13 =	vadd.f32 v6, v13;
	v14 =	vadd.f32 v3, v14;
	v6 =	vld.idx.msk [tilespmem:v1+s8+$0xFFFFFF90 ss:$0x1], $0xffff  }
0x12c: {  	v12 =	vadd.f32 v4, v12;
	v11 =	vadd.f32 v5, v11;
	v3 =	vld.idx.msk [tilespmem:v1+s8+$0xFFFFFFA0 ss:$0x1], $0xffff  }
0x12d: {  	v10 =	vadd.f32 v15, v10;
	v8 =	vadd.f32 v16, v8;
	v4 =	vld.idx.msk [tilespmem:v1+s8+$0xFFFFFFB0 ss:$0x1], $0xffff  }
0x12e: {  	v9 =	vadd.f32 v17, v9;
	v7 =	vadd.f32 v22, v7;
	v5 =	vld.idx.msk [tilespmem:v1+s8+$0xFFFFFFC0 ss:$0x1], $0xffff  }
0x12f: {  	v10 =	vadd.f32 v2, v10;
	v8 =	vadd.f32 v0, v8;
	v2 =	vld.idx.msk [tilespmem:v1+s8+$0xFFFFFFD0 ss:$0x1], $0xffff  }
0x130: {  	v9 =	vadd.f32 v20, v9;
	v7 =	vadd.f32 v18, v7;
	v0 =	vld.idx.msk [tilespmem:v1+s8+$0xFFFFFFE0 ss:$0x1], $0xffff  }
0x131: {  	v20 =	vld.idx.msk [tilespmem:v1+s8+$0xFFFFFF10 ss:$0x1], $0xffff  }
0x132: {  	v21 =	vld.idx.msk [tilespmem:v1+s8+$0xFFFFFF20 ss:$0x1], $0xffff  }
.Ltmp6:
0x133: {  	v18 =	vld.idx.msk [tilespmem:v1+s8+$0xFFFFFF30 ss:$0x1], $0xffff;
	(pc) =	sbr.rel @p2 .LBB2_16-.Ltmp6, $4  }
0x134: {  	v19 =	vld.idx.msk [tilespmem:v1+s8+$0xFFFFFF40 ss:$0x1], $0xffff  }
0x135: {  	v15 =	vld.idx.msk [tilespmem:v1+s8+$0xFFFFFF50 ss:$0x1], $0xffff  }
0x136: {  	v16 =	vld.idx.msk [tilespmem:v1+s8+$0xFFFFFF60 ss:$0x1], $0xffff  }
0x137: {  	s19 =	sadd.s32 $0x400, s19;
	v17 =	vld.idx.msk [tilespmem:v1+s8+$0xFFFFFF70 ss:$0x1], $0xffff  }
0x138: {  	_ =	sdelay $0x1  }
0x139: {  	v13 =	vadd.f32 v20, v13  }
0x13a: {  	v14 =	vadd.f32 v21, v14;
	s19 =	sadd.s32 s26, s23  }
0x13b: {  	v58 =	vld.idx.msk [tilespmem:v1+s8+$0xFFFFFF80 ss:$0x1], $0xffff;
	v12 =	vadd.f32 v18, v12;
	s19 =	sshll.u32 s19, $0x9;
	v6 =	vadd.f32 v6, v13  }
0x13c: {  	v59 =	vld.idx.msk [tilespmem:v1+s8+$0xFFFFFFF0 ss:$0x1], $0xffff;
	v11 =	vadd.f32 v19, v11;
	v3 =	vadd.f32 v3, v14;
	s30 =	sshra.s32 s19, $0x2  }
0x13d: {  	v60 =	vld.idx.msk [tilespmem:v1+s8+$0x0 ss:$0x1], $0xffff;
	v4 =	vadd.f32 v4, v12;
	v10 =	vadd.f32 v15, v10;
	[tilespmem:s30+$0xB500] =	vst v6  }
0x13e: {  	s23 =	sadd.s32 $0x1, s23;
	v5 =	vadd.f32 v5, v11;
	v61 =	vadd.f32 v16, v8;
	[tilespmem:s30+$0xB510] =	vst v3  }
0x13f: {  	p2 =	sne.s32 s23, $0x4;
	v62 =	vadd.f32 v17, v9;
	v2 =	vadd.f32 v2, v10;
	[tilespmem:s30+$0xB520] =	vst v4  }
.Ltmp7:
0x140: {  	v63 =	vadd.f32 v58, v7;
	v0 =	vadd.f32 v0, v61;
	[tilespmem:s30+$0xB530] =	vst v5;
	(pc) =	sbr.rel @p2 .LBB2_15-.Ltmp7, $4  }
0x141: {  	v3 =	vadd.f32 v59, v62;
	[tilespmem:s30+$0xB540] =	vst v2  }
0x142: {  	v1 =	vadd.f32 v60, v63;
	[tilespmem:s30+$0xB550] =	vst v0  }
0x143: {  	[tilespmem:s30+$0xB560] =	vst v3  }
0x144: {  	s18 =	sadd.s32 $0xA00, s18;
	[tilespmem:s30+$0xB570] =	vst v1  }
0x145: {  	s8 =	sadd.s32 @!p0 $0x330, s28;
	s18 =	simm.s32 @!p0 $0x50;
	s19 =	simm.s32 @!p0 $0x8D00  }
0x146: {  	[tilespmem:s19], [sflag:$0x4] =	stream.indirect.gather @!p0 [hbm4b:s5+s18], $0x80, s8, s18, $0xb8;
	[tilespmem:$0x17500] =	vst v63  }
0x147: {  	s8 =	sadd.s32 @!p1 $0x330, s29;
	s18 =	simm.s32 @!p1 $0x50  }
0x148: {  	s19 =	simm.s32 @!p1 $0x8D00;
	p0 =	sne.s32 s25, $0x7;
	s25 =	sadd.s32 $0x1, s25  }
0x149: {  	[tilespmem:s19], [sflag:$0x4] =	stream.indirect.gather @!p1 [hbm4b:s4+s18], $0x80, s8, s18, $0xb8;
	[tilespmem:$0x17500] =	vst v63  }
0x14a: {  	s8 =	simm.s32 @!p0 $0x0;
	s18 =	simm.s32 @!p0 $0xB500;
	p1 =	sne.s32 s25, $0x10  }
0x14b: {  	[hbm4b:s13+s8] =	stream.linear.scatter @!p0 [tilespmem:s18], [sflag:$0x7], $0x4000, $0x38;
	[tilespmem:$0x17500] =	vst v63  }
.Ltmp8:
0x14c: {  	_ = 	snop;
	(pc) =	sbr.rel @p1 .LBB2_2-.Ltmp8, $4  }
0x14d: {  	s8 =	simm.s32 @!p0 $0x7  }
0x14e: {  	_ =	swait.ge @!p0 [sflag:s8], $0x4000  }
0x14f: {  	[sflag:s8] =	ssyncset.done @!p0 $0x0  }
0x150: {  	[sflag:s8] =	ssyncadd.s32 @!p0 $0xFFFFC000  }
0x151: {  	s8 =	simm.s32 $0xB500  }
0x152: {  	[hbm4b:s14+s6] =	stream.linear.scatter [tilespmem:s8], [sflag:$0x7], $0x4000, $0x38;
	[tilespmem:$0x17500] =	vst v63  }
0x153: {  	_ =	swait.ge [sflag:s16], $0x4000  }
0x154: {  	[sflag:s16] =	ssyncset.done $0x0  }
0x155: {  	s24 =	sadd.s32 $0x1, s24;
	[sflag:s16] =	ssyncadd.s32 $0xFFFFC000  }
0x156: {  	p0 =	sne.s32 s24, s15;
	_ =	swait.ge [sflag:s31], $0x4000  }
.Ltmp9:
0x157: {  	[sflag:s31] =	ssyncset.done $0x0;
	(pc) =	sbr.rel @p0 .LBB2_1-.Ltmp9, $4  }
0x158: {  	[sflag:s31] =	ssyncadd.s32 $0xFFFFC000  }
0x159: {  	_ =	swait.ge [sflag:s31], $0x4000  }
0x15a: {  	[sflag:s31] =	ssyncset.done $0x0  }
0x15b: {  	[sflag:s31] =	ssyncadd.s32 $0xFFFFC000  }
0x15c: {  	_ =	sfence.sel $0x180000  }
0x15d: {  	[bflag:$0x0] =	sbarrier.arrive $0xFFFF  }
0x15e: {  	_ =	strace $0x90000047  }
0x15f: {  	s0 =	stileid.u32;
	[bflag:$0x2] =	sbarrier.arrive $0xFFFF  }
0x160: {  	p0 =	sne.s32 s0, $0x0;
	s0 =	rddreg [dreg:$0x5]  }
0x161: {  	s0 =	sadd.s32 @!p0 $0x100000, s0  }
0x162: {  	[sflag:s0] =	ssyncadd.tile.s32 @!p0 $0x1;
	_ =	shalt  }
.Lfunc_end2:
_tile_overlayer_lowered:
.L_overlay_start_2:
0x163: {  	(tag) =	ssettag $0x2  }
0x164: {  	s0 =	rddreg [dreg:$0x0];
	s2 =	stileid.u32  }
0x165: {  	s1 =	rddreg [dreg:$0x1];
	p0 =	sne.s32 s2, $0x0  }
0x166: {  	s3 =	rddreg [dreg:$0x2];
	[bflag:$0x3] =	sbarrier.arrive $0xFFFF;
	s2 =	simm.s32 @!p0 $0x1C07  }
0x167: {  	[timem:s3], [sflag:s2] =	dma.local @!p0 [hbm:s0], s1  }
0x168: {  	s0 =	simm.s32 @!p0 $0x7  }
0x169: {  	_ =	swait.ge @!p0 [sflag:s0], s1  }
0x16a: {  	s1 =	ssub.s32 @!p0 $0x0, s1;
	[sflag:s0] =	ssyncset.done @!p0 $0x0  }
0x16b: {  	[sflag:s0] =	ssyncadd.s32 @!p0 s1  }
0x16c: {  	[bflag:$0x3] =	sbarrier.arrive $0xFFFF  }
0x16d: {  	_ =	shalt  }

</sc_bundles>
